<compile_context>
chip_gen: v7x
topology: tpu7x:2x2x1
jax: 0.10.2.dev20260603
libtpu: 0.0.44.dev20260713+nightly
codegen_flags: <defaults>
</compile_context>

<pallas_src>
import functools

import jax
import jax.numpy as jnp
from jax import lax
from jax.experimental import pallas as pl
from jax.experimental.pallas import tpu as pltpu
from jax.experimental.pallas import tpu_sc as plsc

_VOCAB_ROWS = 1000001
_D = 32
_B = 16384
_MAX_VOCAB = 1000000.0
_ALPHA = 0.75

_NC = 2
_NS = 16
_NW = _NC * _NS
_BPW = _B // _NW
_CHUNK = 128
_NCHUNK = _BPW // _CHUNK
_GROUPS = _BPW // 16

_DT_COLS = 32768
_DT_GRID = 31
_PLANE = _DT_GRID * _DT_COLS
_PB = _PLANE // 128


def _detile_body(t_ref, out_ref):
    out_ref[...] = t_ref[...].reshape(_D, _DT_COLS // 128, 128)


_detile = pl.pallas_call(
    _detile_body,
    grid=(_DT_GRID,),
    in_specs=[pl.BlockSpec((_D, _DT_COLS), lambda m: (0, m))],
    out_specs=pl.BlockSpec((_D, _DT_COLS // 128, 128), lambda m: (0, m, 0)),
    out_shape=jax.ShapeDtypeStruct((_D, _PB, 128), jnp.float32),
)


def _sc_body(t_ind, c_ind, t_lin, c_lin, t_bias, c_bias, out_hbm,
             tidx_v, cidx_v, tbuf, cbuf, tb_v, cb_v, s_v, sem):
    wid = lax.axis_index("s") * _NC + lax.axis_index("c")

    pltpu.sync_copy(t_ind.at[wid], tidx_v)
    pltpu.sync_copy(c_ind.at[wid], cidx_v)

    bias_copies = []
    for j in range(_NCHUNK):
        r = pl.ds(j * _CHUNK, _CHUNK)
        bias_copies.append(pltpu.async_copy(t_bias.at[tidx_v.at[r]], tb_v.at[r], sem))
        bias_copies.append(pltpu.async_copy(c_bias.at[cidx_v.at[r]], cb_v.at[r], sem))

    def dfire(d, carry):
        for j in range(_NCHUNK):
            r = pl.ds(j * _CHUNK, _CHUNK)
            pltpu.async_copy(t_lin.at[d].at[tidx_v.at[r]], tbuf.at[d, r], sem)
            pltpu.async_copy(c_lin.at[d].at[cidx_v.at[r]], cbuf.at[d, r], sem)
        return carry

    lax.fori_loop(0, _D, dfire, 0)

    pltpu.make_async_copy(t_lin.at[:, pl.ds(0, _BPW)], tbuf, sem).wait()
    pltpu.make_async_copy(c_lin.at[:, pl.ds(0, _BPW)], cbuf, sem).wait()
    for c in bias_copies:
        c.wait()

    def group(g, carry):
        o = pl.ds(g * 16, 16)
        acc = tb_v[o] + cb_v[o]
        for d in range(_D):
            acc = acc + tbuf[d, o] * cbuf[d, o]
        s_v[o] = acc
        return carry

    lax.fori_loop(0, _GROUPS, group, 0)

    pltpu.sync_copy(s_v, out_hbm.at[pl.ds(wid * _BPW, _BPW)])


@functools.cache
def _make_sc_dot():
    @functools.partial(
        pl.kernel,
        mesh=plsc.VectorSubcoreMesh(core_axis_name="c", subcore_axis_name="s"),
        out_type=jax.ShapeDtypeStruct((_B,), jnp.float32),
        compiler_params=pltpu.CompilerParams(use_tc_tiling_on_sc=False),
        scratch_types=[
            pltpu.VMEM((_BPW,), jnp.int32),
            pltpu.VMEM((_BPW,), jnp.int32),
            pltpu.VMEM((_D, _BPW), jnp.float32),
            pltpu.VMEM((_D, _BPW), jnp.float32),
            pltpu.VMEM((_BPW,), jnp.float32),
            pltpu.VMEM((_BPW,), jnp.float32),
            pltpu.VMEM((_BPW,), jnp.float32),
            pltpu.SemaphoreType.DMA,
        ],
    )
    def _sc_dot(t_ind, c_ind, t_lin, c_lin, t_bias, c_bias, out_hbm, *scratch):
        _sc_body(t_ind, c_ind, t_lin, c_lin, t_bias, c_bias, out_hbm, *scratch)

    return _sc_dot


def _tc_tail_body(s_ref, co_ref, out_ref):
    s = s_ref[...]
    co = co_ref[...]
    w = jnp.minimum(1.0, jnp.power(co * (1.0 / _MAX_VOCAB), _ALPHA))
    diff = s - jnp.log(co + 1.0)
    out_ref[0, 0] = jnp.sum(w * diff * diff)


_tc_tail = pl.pallas_call(
    _tc_tail_body,
    out_shape=jax.ShapeDtypeStruct((1, 1), jnp.float32),
    out_specs=pl.BlockSpec(memory_space=pltpu.SMEM),
)


def kernel(target_ind, context_ind, co_occurs, target_embeddings,
           context_embeddings, target_biases, context_biases):
    tind = target_ind.astype(jnp.int32).reshape(_NW, _BPW)
    cind = context_ind.astype(jnp.int32).reshape(_NW, _BPW)
    t_lin = _detile(target_embeddings.T).reshape(_D, _PLANE)
    c_lin = _detile(context_embeddings.T).reshape(_D, _PLANE)
    s = _make_sc_dot()(tind, cind, t_lin, c_lin,
                       target_biases, context_biases)
    cost = _tc_tail(s.reshape(128, 128), co_occurs.astype(jnp.float32).reshape(128, 128))
    return cost[0, 0]

# --- scband reference (transcript-rebuilt; emitter-appended) ---
"""Pipeline reference for scband-glo-ve-27006754357905 (READ-ONLY COPY).

The authoritative reference and input builder live on the scoring server;
editing this copy changes nothing except your own understanding.
"""

import jax, jax.numpy as jnp
import numpy as np

VOCAB = 1000000
EMBED_DIM = 32
BATCH = 16384
MAX_VOCAB_SIZE = 1000000
SCALING_FACTOR = 0.75


def setup_inputs(seed: int = 0) -> dict:
    key = jax.random.key(seed)
    k1, k2, k3, k4, k5, k6, k7 = jax.random.split(key, 7)
    target_ind = jax.random.randint(k1, (BATCH,), 0, VOCAB, dtype=jnp.int64 if jax.config.jax_enable_x64 else jnp.int32)
    context_ind = jax.random.randint(k2, (BATCH,), 0, VOCAB, dtype=jnp.int64 if jax.config.jax_enable_x64 else jnp.int32)
    co_occurs = jax.random.uniform(k3, (BATCH,), dtype=jnp.float32)
    # learned params: (vocab_size + 1) rows, matching init_params() in the original model
    target_embeddings = jax.random.uniform(k4, (VOCAB + 1, EMBED_DIM), dtype=jnp.float32, minval=-0.1, maxval=0.1)
    context_embeddings = jax.random.uniform(k5, (VOCAB + 1, EMBED_DIM), dtype=jnp.float32, minval=-0.1, maxval=0.1)
    target_biases = jax.random.uniform(k6, (VOCAB + 1,), dtype=jnp.float32, minval=-0.1, maxval=0.1)
    context_biases = jax.random.uniform(k7, (VOCAB + 1,), dtype=jnp.float32, minval=-0.1, maxval=0.1)
    return {
        "target_ind": target_ind,
        "context_ind": context_ind,
        "co_occurs": co_occurs,
        "target_embeddings": target_embeddings,
        "context_embeddings": context_embeddings,
        "target_biases": target_biases,
        "context_biases": context_biases,
    }


def reference(target_ind, context_ind, co_occurs, target_embeddings, context_embeddings, target_biases, context_biases):
    # Faithful translation of GloVe.compute_cost
    target_emb = jnp.take(target_embeddings, target_ind, axis=0)
    context_emb = jnp.take(context_embeddings, context_ind, axis=0)
    target_bias = jnp.take(target_biases, target_ind, axis=0)
    context_bias = jnp.take(context_biases, context_ind, axis=0)
    weight = jnp.minimum(1.0, jnp.power(co_occurs / jnp.float32(MAX_VOCAB_SIZE), SCALING_FACTOR))
    emb_product = jnp.sum(target_emb * context_emb, axis=1)
    log_cooccurrence = jnp.log(co_occurs.astype(jnp.float32) + 1.0)
    distance_cost = jnp.square(emb_product + target_bias + context_bias - log_cooccurrence)
    batch_cost = jnp.sum(weight * distance_cost)
    return batch_cost

if __name__ == "__main__":
    import jax
    _d = setup_inputs()
    print(jax.jit(kernel)(*tuple(_d.values())))

</pallas_src>

<mosaic_0001>
#map = affine_map<(d0, d1) -> (0, 0)>
#map1 = affine_map<(d0, d1) -> (0)>
module attributes {stable_mosaic.version = 14 : i64} {
  func.func @_sc_dot(%arg0: i32, %arg1: i32, %arg2: memref<32x512xi32, #tpu.memory_space<hbm>>, %arg3: memref<32x512xi32, #tpu.memory_space<hbm>>, %arg4: memref<32x1015808xf32, #tpu.memory_space<hbm>>, %arg5: memref<32x1015808xf32, #tpu.memory_space<hbm>>, %arg6: memref<1000001xf32, #tpu.memory_space<hbm>>, %arg7: memref<1000001xf32, #tpu.memory_space<hbm>>, %arg8: memref<16384xf32, #tpu.memory_space<hbm>>, %arg9: memref<512xi32, #tpu.memory_space<vmem>>, %arg10: memref<512xi32, #tpu.memory_space<vmem>>, %arg11: memref<32x512xf32, #tpu.memory_space<vmem>>, %arg12: memref<32x512xf32, #tpu.memory_space<vmem>>, %arg13: memref<512xf32, #tpu.memory_space<vmem>>, %arg14: memref<512xf32, #tpu.memory_space<vmem>>, %arg15: memref<512xf32, #tpu.memory_space<vmem>>, %arg16: memref<!tpu.dma_semaphore, #tpu.memory_space<semaphore_mem>>) attributes {dimension_semantics = [#tpu.dimension_semantics<core_parallel>, #tpu.dimension_semantics<subcore_parallel>], iteration_bounds = array<i64: 2, 16>, scalar_prefetch = 0 : i64, scratch_operands = 8 : i64, tpu.core_type = #tpu.core_type<sc_vector_subcore>, window_params = [{transform_indices = #map}, {transform_indices = #map}, {transform_indices = #map}, {transform_indices = #map}, {transform_indices = #map1}, {transform_indices = #map1}, {transform_indices = #map1}]} {
    %mul3A = arith.constant 2 : i32
    %mul3A_0 = arith.muli %arg1, %mul3A : i32
    %add3A = arith.addi %mul3A_0, %arg0 : i32
    "tpu.region"() ({
      %run_scoped3A = tpu.sem_alloc : memref<!tpu.dma_semaphore, #tpu.memory_space<semaphore_mem>>
      %dma_start3A_120 = arith.constant 0 : i32
      %dma_start3A_121 = tpu.memref_slice %arg2[%add3A, %dma_start3A_120] : memref<32x512xi32, #tpu.memory_space<hbm>> -> memref<1x512xi32, #tpu.memory_space<hbm>>
      %dma_start3A_122 = tpu.memref_squeeze %dma_start3A_121 : memref<1x512xi32, #tpu.memory_space<hbm>> -> memref<512xi32, #tpu.memory_space<hbm>>
      %dma_start3A_123 = arith.constant 0 : i32
      %dma_start3A_124 = tpu.memref_slice %arg2[%add3A, %dma_start3A_123] : memref<32x512xi32, #tpu.memory_space<hbm>> -> memref<1x512xi32, #tpu.memory_space<hbm>>
      %dma_start3A_125 = tpu.memref_squeeze %dma_start3A_124 : memref<1x512xi32, #tpu.memory_space<hbm>> -> memref<512xi32, #tpu.memory_space<hbm>>
      tpu.enqueue_dma source(%dma_start3A_125 : memref<512xi32, #tpu.memory_space<hbm>>) target(%arg9 : memref<512xi32, #tpu.memory_space<vmem>>) target_semaphore(%run_scoped3A : memref<!tpu.dma_semaphore, #tpu.memory_space<semaphore_mem>>)
      %dma_wait3A_126 = arith.constant 0 : i32
      %dma_wait3A_127 = tpu.memref_slice %arg2[%add3A, %dma_wait3A_126] : memref<32x512xi32, #tpu.memory_space<hbm>> -> memref<1x512xi32, #tpu.memory_space<hbm>>
      %dma_wait3A_128 = tpu.memref_squeeze %dma_wait3A_127 : memref<1x512xi32, #tpu.memory_space<hbm>> -> memref<512xi32, #tpu.memory_space<hbm>>
      %dma_wait3A_129 = arith.constant 0 : i32
      %dma_wait3A_130 = tpu.memref_slice %arg2[%add3A, %dma_wait3A_129] : memref<32x512xi32, #tpu.memory_space<hbm>> -> memref<1x512xi32, #tpu.memory_space<hbm>>
      %dma_wait3A_131 = tpu.memref_squeeze %dma_wait3A_130 : memref<1x512xi32, #tpu.memory_space<hbm>> -> memref<512xi32, #tpu.memory_space<hbm>>
      tpu.wait_dma2 semaphore(%run_scoped3A : memref<!tpu.dma_semaphore, #tpu.memory_space<semaphore_mem>>) src(%dma_wait3A_131 : memref<512xi32, #tpu.memory_space<hbm>>) dst(%arg9 : memref<512xi32, #tpu.memory_space<vmem>>)
      tpu.yield
    }) : () -> ()
    "tpu.region"() ({
      %run_scoped3A = tpu.sem_alloc : memref<!tpu.dma_semaphore, #tpu.memory_space<semaphore_mem>>
      %dma_start3A_120 = arith.constant 0 : i32
      %dma_start3A_121 = tpu.memref_slice %arg3[%add3A, %dma_start3A_120] : memref<32x512xi32, #tpu.memory_space<hbm>> -> memref<1x512xi32, #tpu.memory_space<hbm>>
      %dma_start3A_122 = tpu.memref_squeeze %dma_start3A_121 : memref<1x512xi32, #tpu.memory_space<hbm>> -> memref<512xi32, #tpu.memory_space<hbm>>
      %dma_start3A_123 = arith.constant 0 : i32
      %dma_start3A_124 = tpu.memref_slice %arg3[%add3A, %dma_start3A_123] : memref<32x512xi32, #tpu.memory_space<hbm>> -> memref<1x512xi32, #tpu.memory_space<hbm>>
      %dma_start3A_125 = tpu.memref_squeeze %dma_start3A_124 : memref<1x512xi32, #tpu.memory_space<hbm>> -> memref<512xi32, #tpu.memory_space<hbm>>
      tpu.enqueue_dma source(%dma_start3A_125 : memref<512xi32, #tpu.memory_space<hbm>>) target(%arg10 : memref<512xi32, #tpu.memory_space<vmem>>) target_semaphore(%run_scoped3A : memref<!tpu.dma_semaphore, #tpu.memory_space<semaphore_mem>>)
      %dma_wait3A_126 = arith.constant 0 : i32
      %dma_wait3A_127 = tpu.memref_slice %arg3[%add3A, %dma_wait3A_126] : memref<32x512xi32, #tpu.memory_space<hbm>> -> memref<1x512xi32, #tpu.memory_space<hbm>>
      %dma_wait3A_128 = tpu.memref_squeeze %dma_wait3A_127 : memref<1x512xi32, #tpu.memory_space<hbm>> -> memref<512xi32, #tpu.memory_space<hbm>>
      %dma_wait3A_129 = arith.constant 0 : i32
      %dma_wait3A_130 = tpu.memref_slice %arg3[%add3A, %dma_wait3A_129] : memref<32x512xi32, #tpu.memory_space<hbm>> -> memref<1x512xi32, #tpu.memory_space<hbm>>
      %dma_wait3A_131 = tpu.memref_squeeze %dma_wait3A_130 : memref<1x512xi32, #tpu.memory_space<hbm>> -> memref<512xi32, #tpu.memory_space<hbm>>
      tpu.wait_dma2 semaphore(%run_scoped3A : memref<!tpu.dma_semaphore, #tpu.memory_space<semaphore_mem>>) src(%dma_wait3A_131 : memref<512xi32, #tpu.memory_space<hbm>>) dst(%arg10 : memref<512xi32, #tpu.memory_space<vmem>>)
      tpu.yield
    }) : () -> ()
    %dma_start3A = arith.constant 0 : i32
    %dma_start3A_1 = tpu.memref_slice %arg13[%dma_start3A] : memref<512xf32, #tpu.memory_space<vmem>> -> memref<128xf32, #tpu.memory_space<vmem>>
    %dma_start3A_2 = arith.constant 0 : i32
    %dma_start3A_3 = tpu.memref_slice %arg9[%dma_start3A_2] : memref<512xi32, #tpu.memory_space<vmem>> -> memref<128xi32, #tpu.memory_space<vmem>>
    %dma_start3A_4 = arith.constant 0 : i32
    %dma_start3A_5 = tpu.memref_slice %arg6[%dma_start3A_4] : memref<1000001xf32, #tpu.memory_space<hbm>> -> memref<1000001xf32, #tpu.memory_space<hbm>>
    tpu.enqueue_indirect_dma source(%dma_start3A_5 : memref<1000001xf32, #tpu.memory_space<hbm>>) target(%dma_start3A_1 : memref<128xf32, #tpu.memory_space<vmem>>) offsets(%dma_start3A_3 : memref<128xi32, #tpu.memory_space<vmem>>) semaphore(%arg16 : memref<!tpu.dma_semaphore, #tpu.memory_space<semaphore_mem>>)
    %dma_start3A_6 = arith.constant 0 : i32
    %dma_start3A_7 = tpu.memref_slice %arg14[%dma_start3A_6] : memref<512xf32, #tpu.memory_space<vmem>> -> memref<128xf32, #tpu.memory_space<vmem>>
    %dma_start3A_8 = arith.constant 0 : i32
    %dma_start3A_9 = tpu.memref_slice %arg10[%dma_start3A_8] : memref<512xi32, #tpu.memory_space<vmem>> -> memref<128xi32, #tpu.memory_space<vmem>>
    %dma_start3A_10 = arith.constant 0 : i32
    %dma_start3A_11 = tpu.memref_slice %arg7[%dma_start3A_10] : memref<1000001xf32, #tpu.memory_space<hbm>> -> memref<1000001xf32, #tpu.memory_space<hbm>>
    tpu.enqueue_indirect_dma source(%dma_start3A_11 : memref<1000001xf32, #tpu.memory_space<hbm>>) target(%dma_start3A_7 : memref<128xf32, #tpu.memory_space<vmem>>) offsets(%dma_start3A_9 : memref<128xi32, #tpu.memory_space<vmem>>) semaphore(%arg16 : memref<!tpu.dma_semaphore, #tpu.memory_space<semaphore_mem>>)
    %dma_start3A_12 = arith.constant 128 : i32
    %dma_start3A_13 = tpu.memref_slice %arg13[%dma_start3A_12] : memref<512xf32, #tpu.memory_space<vmem>> -> memref<128xf32, #tpu.memory_space<vmem>>
    %dma_start3A_14 = arith.constant 128 : i32
    %dma_start3A_15 = tpu.memref_slice %arg9[%dma_start3A_14] : memref<512xi32, #tpu.memory_space<vmem>> -> memref<128xi32, #tpu.memory_space<vmem>>
    %dma_start3A_16 = arith.constant 0 : i32
    %dma_start3A_17 = tpu.memref_slice %arg6[%dma_start3A_16] : memref<1000001xf32, #tpu.memory_space<hbm>> -> memref<1000001xf32, #tpu.memory_space<hbm>>
    tpu.enqueue_indirect_dma source(%dma_start3A_17 : memref<1000001xf32, #tpu.memory_space<hbm>>) target(%dma_start3A_13 : memref<128xf32, #tpu.memory_space<vmem>>) offsets(%dma_start3A_15 : memref<128xi32, #tpu.memory_space<vmem>>) semaphore(%arg16 : memref<!tpu.dma_semaphore, #tpu.memory_space<semaphore_mem>>)
    %dma_start3A_18 = arith.constant 128 : i32
    %dma_start3A_19 = tpu.memref_slice %arg14[%dma_start3A_18] : memref<512xf32, #tpu.memory_space<vmem>> -> memref<128xf32, #tpu.memory_space<vmem>>
    %dma_start3A_20 = arith.constant 128 : i32
    %dma_start3A_21 = tpu.memref_slice %arg10[%dma_start3A_20] : memref<512xi32, #tpu.memory_space<vmem>> -> memref<128xi32, #tpu.memory_space<vmem>>
    %dma_start3A_22 = arith.constant 0 : i32
    %dma_start3A_23 = tpu.memref_slice %arg7[%dma_start3A_22] : memref<1000001xf32, #tpu.memory_space<hbm>> -> memref<1000001xf32, #tpu.memory_space<hbm>>
    tpu.enqueue_indirect_dma source(%dma_start3A_23 : memref<1000001xf32, #tpu.memory_space<hbm>>) target(%dma_start3A_19 : memref<128xf32, #tpu.memory_space<vmem>>) offsets(%dma_start3A_21 : memref<128xi32, #tpu.memory_space<vmem>>) semaphore(%arg16 : memref<!tpu.dma_semaphore, #tpu.memory_space<semaphore_mem>>)
    %dma_start3A_24 = arith.constant 256 : i32
    %dma_start3A_25 = tpu.memref_slice %arg13[%dma_start3A_24] : memref<512xf32, #tpu.memory_space<vmem>> -> memref<128xf32, #tpu.memory_space<vmem>>
    %dma_start3A_26 = arith.constant 256 : i32
    %dma_start3A_27 = tpu.memref_slice %arg9[%dma_start3A_26] : memref<512xi32, #tpu.memory_space<vmem>> -> memref<128xi32, #tpu.memory_space<vmem>>
    %dma_start3A_28 = arith.constant 0 : i32
    %dma_start3A_29 = tpu.memref_slice %arg6[%dma_start3A_28] : memref<1000001xf32, #tpu.memory_space<hbm>> -> memref<1000001xf32, #tpu.memory_space<hbm>>
    tpu.enqueue_indirect_dma source(%dma_start3A_29 : memref<1000001xf32, #tpu.memory_space<hbm>>) target(%dma_start3A_25 : memref<128xf32, #tpu.memory_space<vmem>>) offsets(%dma_start3A_27 : memref<128xi32, #tpu.memory_space<vmem>>) semaphore(%arg16 : memref<!tpu.dma_semaphore, #tpu.memory_space<semaphore_mem>>)
    %dma_start3A_30 = arith.constant 256 : i32
    %dma_start3A_31 = tpu.memref_slice %arg14[%dma_start3A_30] : memref<512xf32, #tpu.memory_space<vmem>> -> memref<128xf32, #tpu.memory_space<vmem>>
    %dma_start3A_32 = arith.constant 256 : i32
    %dma_start3A_33 = tpu.memref_slice %arg10[%dma_start3A_32] : memref<512xi32, #tpu.memory_space<vmem>> -> memref<128xi32, #tpu.memory_space<vmem>>
    %dma_start3A_34 = arith.constant 0 : i32
    %dma_start3A_35 = tpu.memref_slice %arg7[%dma_start3A_34] : memref<1000001xf32, #tpu.memory_space<hbm>> -> memref<1000001xf32, #tpu.memory_space<hbm>>
    tpu.enqueue_indirect_dma source(%dma_start3A_35 : memref<1000001xf32, #tpu.memory_space<hbm>>) target(%dma_start3A_31 : memref<128xf32, #tpu.memory_space<vmem>>) offsets(%dma_start3A_33 : memref<128xi32, #tpu.memory_space<vmem>>) semaphore(%arg16 : memref<!tpu.dma_semaphore, #tpu.memory_space<semaphore_mem>>)
    %dma_start3A_36 = arith.constant 384 : i32
    %dma_start3A_37 = tpu.memref_slice %arg13[%dma_start3A_36] : memref<512xf32, #tpu.memory_space<vmem>> -> memref<128xf32, #tpu.memory_space<vmem>>
    %dma_start3A_38 = arith.constant 384 : i32
    %dma_start3A_39 = tpu.memref_slice %arg9[%dma_start3A_38] : memref<512xi32, #tpu.memory_space<vmem>> -> memref<128xi32, #tpu.memory_space<vmem>>
    %dma_start3A_40 = arith.constant 0 : i32
    %dma_start3A_41 = tpu.memref_slice %arg6[%dma_start3A_40] : memref<1000001xf32, #tpu.memory_space<hbm>> -> memref<1000001xf32, #tpu.memory_space<hbm>>
    tpu.enqueue_indirect_dma source(%dma_start3A_41 : memref<1000001xf32, #tpu.memory_space<hbm>>) target(%dma_start3A_37 : memref<128xf32, #tpu.memory_space<vmem>>) offsets(%dma_start3A_39 : memref<128xi32, #tpu.memory_space<vmem>>) semaphore(%arg16 : memref<!tpu.dma_semaphore, #tpu.memory_space<semaphore_mem>>)
    %dma_start3A_42 = arith.constant 384 : i32
    %dma_start3A_43 = tpu.memref_slice %arg14[%dma_start3A_42] : memref<512xf32, #tpu.memory_space<vmem>> -> memref<128xf32, #tpu.memory_space<vmem>>
    %dma_start3A_44 = arith.constant 384 : i32
    %dma_start3A_45 = tpu.memref_slice %arg10[%dma_start3A_44] : memref<512xi32, #tpu.memory_space<vmem>> -> memref<128xi32, #tpu.memory_space<vmem>>
    %dma_start3A_46 = arith.constant 0 : i32
    %dma_start3A_47 = tpu.memref_slice %arg7[%dma_start3A_46] : memref<1000001xf32, #tpu.memory_space<hbm>> -> memref<1000001xf32, #tpu.memory_space<hbm>>
    tpu.enqueue_indirect_dma source(%dma_start3A_47 : memref<1000001xf32, #tpu.memory_space<hbm>>) target(%dma_start3A_43 : memref<128xf32, #tpu.memory_space<vmem>>) offsets(%dma_start3A_45 : memref<128xi32, #tpu.memory_space<vmem>>) semaphore(%arg16 : memref<!tpu.dma_semaphore, #tpu.memory_space<semaphore_mem>>)
    %scan3A = arith.constant 0 : i32
    %scan3A_48 = arith.constant 0 : i32
    %scan3A_49 = arith.constant 32 : i32
    %scan3A_50 = arith.addi %scan3A_48, %scan3A_49 : i32
    %scan3A_51 = arith.constant 1 : i32
    scf.for %scan3A_120 = %scan3A_48 to %scan3A_50 step %scan3A_51  : i32 {
      %dma_start3A_121 = arith.constant 0 : i32
      %dma_start3A_122 = tpu.memref_slice %arg11[%scan3A_120, %dma_start3A_121] : memref<32x512xf32, #tpu.memory_space<vmem>> -> memref<1x128xf32, #tpu.memory_space<vmem>>
      %dma_start3A_123 = tpu.memref_squeeze %dma_start3A_122 : memref<1x128xf32, #tpu.memory_space<vmem>> -> memref<128xf32, #tpu.memory_space<vmem>>
      %dma_start3A_124 = arith.constant 0 : i32
      %dma_start3A_125 = tpu.memref_slice %arg9[%dma_start3A_124] : memref<512xi32, #tpu.memory_space<vmem>> -> memref<128xi32, #tpu.memory_space<vmem>>
      %dma_start3A_126 = arith.constant 0 : i32
      %dma_start3A_127 = tpu.memref_slice %arg4[%scan3A_120, %dma_start3A_126] : memref<32x1015808xf32, #tpu.memory_space<hbm>> -> memref<1x1015808xf32, #tpu.memory_space<hbm>>
      %dma_start3A_128 = tpu.memref_squeeze %dma_start3A_127 : memref<1x1015808xf32, #tpu.memory_space<hbm>> -> memref<1015808xf32, #tpu.memory_space<hbm>>
      %dma_start3A_129 = arith.constant 0 : i32
      %dma_start3A_130 = tpu.memref_slice %dma_start3A_128[%dma_start3A_129] : memref<1015808xf32, #tpu.memory_space<hbm>> -> memref<1015808xf32, #tpu.memory_space<hbm>>
      tpu.enqueue_indirect_dma source(%dma_start3A_130 : memref<1015808xf32, #tpu.memory_space<hbm>>) target(%dma_start3A_123 : memref<128xf32, #tpu.memory_space<vmem>>) offsets(%dma_start3A_125 : memref<128xi32, #tpu.memory_space<vmem>>) semaphore(%arg16 : memref<!tpu.dma_semaphore, #tpu.memory_space<semaphore_mem>>)
      %dma_start3A_131 = arith.constant 0 : i32
      %dma_start3A_132 = tpu.memref_slice %arg12[%scan3A_120, %dma_start3A_131] : memref<32x512xf32, #tpu.memory_space<vmem>> -> memref<1x128xf32, #tpu.memory_space<vmem>>
      %dma_start3A_133 = tpu.memref_squeeze %dma_start3A_132 : memref<1x128xf32, #tpu.memory_space<vmem>> -> memref<128xf32, #tpu.memory_space<vmem>>
      %dma_start3A_134 = arith.constant 0 : i32
      %dma_start3A_135 = tpu.memref_slice %arg10[%dma_start3A_134] : memref<512xi32, #tpu.memory_space<vmem>> -> memref<128xi32, #tpu.memory_space<vmem>>
      %dma_start3A_136 = arith.constant 0 : i32
      %dma_start3A_137 = tpu.memref_slice %arg5[%scan3A_120, %dma_start3A_136] : memref<32x1015808xf32, #tpu.memory_space<hbm>> -> memref<1x1015808xf32, #tpu.memory_space<hbm>>
      %dma_start3A_138 = tpu.memref_squeeze %dma_start3A_137 : memref<1x1015808xf32, #tpu.memory_space<hbm>> -> memref<1015808xf32, #tpu.memory_space<hbm>>
      %dma_start3A_139 = arith.constant 0 : i32
      %dma_start3A_140 = tpu.memref_slice %dma_start3A_138[%dma_start3A_139] : memref<1015808xf32, #tpu.memory_space<hbm>> -> memref<1015808xf32, #tpu.memory_space<hbm>>
      tpu.enqueue_indirect_dma source(%dma_start3A_140 : memref<1015808xf32, #tpu.memory_space<hbm>>) target(%dma_start3A_133 : memref<128xf32, #tpu.memory_space<vmem>>) offsets(%dma_start3A_135 : memref<128xi32, #tpu.memory_space<vmem>>) semaphore(%arg16 : memref<!tpu.dma_semaphore, #tpu.memory_space<semaphore_mem>>)
      %dma_start3A_141 = arith.constant 128 : i32
      %dma_start3A_142 = tpu.memref_slice %arg11[%scan3A_120, %dma_start3A_141] : memref<32x512xf32, #tpu.memory_space<vmem>> -> memref<1x128xf32, #tpu.memory_space<vmem>>
      %dma_start3A_143 = tpu.memref_squeeze %dma_start3A_142 : memref<1x128xf32, #tpu.memory_space<vmem>> -> memref<128xf32, #tpu.memory_space<vmem>>
      %dma_start3A_144 = arith.constant 128 : i32
      %dma_start3A_145 = tpu.memref_slice %arg9[%dma_start3A_144] : memref<512xi32, #tpu.memory_space<vmem>> -> memref<128xi32, #tpu.memory_space<vmem>>
      %dma_start3A_146 = arith.constant 0 : i32
      %dma_start3A_147 = tpu.memref_slice %arg4[%scan3A_120, %dma_start3A_146] : memref<32x1015808xf32, #tpu.memory_space<hbm>> -> memref<1x1015808xf32, #tpu.memory_space<hbm>>
      %dma_start3A_148 = tpu.memref_squeeze %dma_start3A_147 : memref<1x1015808xf32, #tpu.memory_space<hbm>> -> memref<1015808xf32, #tpu.memory_space<hbm>>
      %dma_start3A_149 = arith.constant 0 : i32
      %dma_start3A_150 = tpu.memref_slice %dma_start3A_148[%dma_start3A_149] : memref<1015808xf32, #tpu.memory_space<hbm>> -> memref<1015808xf32, #tpu.memory_space<hbm>>
      tpu.enqueue_indirect_dma source(%dma_start3A_150 : memref<1015808xf32, #tpu.memory_space<hbm>>) target(%dma_start3A_143 : memref<128xf32, #tpu.memory_space<vmem>>) offsets(%dma_start3A_145 : memref<128xi32, #tpu.memory_space<vmem>>) semaphore(%arg16 : memref<!tpu.dma_semaphore, #tpu.memory_space<semaphore_mem>>)
      %dma_start3A_151 = arith.constant 128 : i32
      %dma_start3A_152 = tpu.memref_slice %arg12[%scan3A_120, %dma_start3A_151] : memref<32x512xf32, #tpu.memory_space<vmem>> -> memref<1x128xf32, #tpu.memory_space<vmem>>
      %dma_start3A_153 = tpu.memref_squeeze %dma_start3A_152 : memref<1x128xf32, #tpu.memory_space<vmem>> -> memref<128xf32, #tpu.memory_space<vmem>>
      %dma_start3A_154 = arith.constant 128 : i32
      %dma_start3A_155 = tpu.memref_slice %arg10[%dma_start3A_154] : memref<512xi32, #tpu.memory_space<vmem>> -> memref<128xi32, #tpu.memory_space<vmem>>
      %dma_start3A_156 = arith.constant 0 : i32
      %dma_start3A_157 = tpu.memref_slice %arg5[%scan3A_120, %dma_start3A_156] : memref<32x1015808xf32, #tpu.memory_space<hbm>> -> memref<1x1015808xf32, #tpu.memory_space<hbm>>
      %dma_start3A_158 = tpu.memref_squeeze %dma_start3A_157 : memref<1x1015808xf32, #tpu.memory_space<hbm>> -> memref<1015808xf32, #tpu.memory_space<hbm>>
      %dma_start3A_159 = arith.constant 0 : i32
      %dma_start3A_160 = tpu.memref_slice %dma_start3A_158[%dma_start3A_159] : memref<1015808xf32, #tpu.memory_space<hbm>> -> memref<1015808xf32, #tpu.memory_space<hbm>>
      tpu.enqueue_indirect_dma source(%dma_start3A_160 : memref<1015808xf32, #tpu.memory_space<hbm>>) target(%dma_start3A_153 : memref<128xf32, #tpu.memory_space<vmem>>) offsets(%dma_start3A_155 : memref<128xi32, #tpu.memory_space<vmem>>) semaphore(%arg16 : memref<!tpu.dma_semaphore, #tpu.memory_space<semaphore_mem>>)
      %dma_start3A_161 = arith.constant 256 : i32
      %dma_start3A_162 = tpu.memref_slice %arg11[%scan3A_120, %dma_start3A_161] : memref<32x512xf32, #tpu.memory_space<vmem>> -> memref<1x128xf32, #tpu.memory_space<vmem>>
      %dma_start3A_163 = tpu.memref_squeeze %dma_start3A_162 : memref<1x128xf32, #tpu.memory_space<vmem>> -> memref<128xf32, #tpu.memory_space<vmem>>
      %dma_start3A_164 = arith.constant 256 : i32
      %dma_start3A_165 = tpu.memref_slice %arg9[%dma_start3A_164] : memref<512xi32, #tpu.memory_space<vmem>> -> memref<128xi32, #tpu.memory_space<vmem>>
      %dma_start3A_166 = arith.constant 0 : i32
      %dma_start3A_167 = tpu.memref_slice %arg4[%scan3A_120, %dma_start3A_166] : memref<32x1015808xf32, #tpu.memory_space<hbm>> -> memref<1x1015808xf32, #tpu.memory_space<hbm>>
      %dma_start3A_168 = tpu.memref_squeeze %dma_start3A_167 : memref<1x1015808xf32, #tpu.memory_space<hbm>> -> memref<1015808xf32, #tpu.memory_space<hbm>>
      %dma_start3A_169 = arith.constant 0 : i32
      %dma_start3A_170 = tpu.memref_slice %dma_start3A_168[%dma_start3A_169] : memref<1015808xf32, #tpu.memory_space<hbm>> -> memref<1015808xf32, #tpu.memory_space<hbm>>
      tpu.enqueue_indirect_dma source(%dma_start3A_170 : memref<1015808xf32, #tpu.memory_space<hbm>>) target(%dma_start3A_163 : memref<128xf32, #tpu.memory_space<vmem>>) offsets(%dma_start3A_165 : memref<128xi32, #tpu.memory_space<vmem>>) semaphore(%arg16 : memref<!tpu.dma_semaphore, #tpu.memory_space<semaphore_mem>>)
      %dma_start3A_171 = arith.constant 256 : i32
      %dma_start3A_172 = tpu.memref_slice %arg12[%scan3A_120, %dma_start3A_171] : memref<32x512xf32, #tpu.memory_space<vmem>> -> memref<1x128xf32, #tpu.memory_space<vmem>>
      %dma_start3A_173 = tpu.memref_squeeze %dma_start3A_172 : memref<1x128xf32, #tpu.memory_space<vmem>> -> memref<128xf32, #tpu.memory_space<vmem>>
      %dma_start3A_174 = arith.constant 256 : i32
      %dma_start3A_175 = tpu.memref_slice %arg10[%dma_start3A_174] : memref<512xi32, #tpu.memory_space<vmem>> -> memref<128xi32, #tpu.memory_space<vmem>>
      %dma_start3A_176 = arith.constant 0 : i32
      %dma_start3A_177 = tpu.memref_slice %arg5[%scan3A_120, %dma_start3A_176] : memref<32x1015808xf32, #tpu.memory_space<hbm>> -> memref<1x1015808xf32, #tpu.memory_space<hbm>>
      %dma_start3A_178 = tpu.memref_squeeze %dma_start3A_177 : memref<1x1015808xf32, #tpu.memory_space<hbm>> -> memref<1015808xf32, #tpu.memory_space<hbm>>
      %dma_start3A_179 = arith.constant 0 : i32
      %dma_start3A_180 = tpu.memref_slice %dma_start3A_178[%dma_start3A_179] : memref<1015808xf32, #tpu.memory_space<hbm>> -> memref<1015808xf32, #tpu.memory_space<hbm>>
      tpu.enqueue_indirect_dma source(%dma_start3A_180 : memref<1015808xf32, #tpu.memory_space<hbm>>) target(%dma_start3A_173 : memref<128xf32, #tpu.memory_space<vmem>>) offsets(%dma_start3A_175 : memref<128xi32, #tpu.memory_space<vmem>>) semaphore(%arg16 : memref<!tpu.dma_semaphore, #tpu.memory_space<semaphore_mem>>)
      %dma_start3A_181 = arith.constant 384 : i32
      %dma_start3A_182 = tpu.memref_slice %arg11[%scan3A_120, %dma_start3A_181] : memref<32x512xf32, #tpu.memory_space<vmem>> -> memref<1x128xf32, #tpu.memory_space<vmem>>
      %dma_start3A_183 = tpu.memref_squeeze %dma_start3A_182 : memref<1x128xf32, #tpu.memory_space<vmem>> -> memref<128xf32, #tpu.memory_space<vmem>>
      %dma_start3A_184 = arith.constant 384 : i32
      %dma_start3A_185 = tpu.memref_slice %arg9[%dma_start3A_184] : memref<512xi32, #tpu.memory_space<vmem>> -> memref<128xi32, #tpu.memory_space<vmem>>
      %dma_start3A_186 = arith.constant 0 : i32
      %dma_start3A_187 = tpu.memref_slice %arg4[%scan3A_120, %dma_start3A_186] : memref<32x1015808xf32, #tpu.memory_space<hbm>> -> memref<1x1015808xf32, #tpu.memory_space<hbm>>
      %dma_start3A_188 = tpu.memref_squeeze %dma_start3A_187 : memref<1x1015808xf32, #tpu.memory_space<hbm>> -> memref<1015808xf32, #tpu.memory_space<hbm>>
      %dma_start3A_189 = arith.constant 0 : i32
      %dma_start3A_190 = tpu.memref_slice %dma_start3A_188[%dma_start3A_189] : memref<1015808xf32, #tpu.memory_space<hbm>> -> memref<1015808xf32, #tpu.memory_space<hbm>>
      tpu.enqueue_indirect_dma source(%dma_start3A_190 : memref<1015808xf32, #tpu.memory_space<hbm>>) target(%dma_start3A_183 : memref<128xf32, #tpu.memory_space<vmem>>) offsets(%dma_start3A_185 : memref<128xi32, #tpu.memory_space<vmem>>) semaphore(%arg16 : memref<!tpu.dma_semaphore, #tpu.memory_space<semaphore_mem>>)
      %dma_start3A_191 = arith.constant 384 : i32
      %dma_start3A_192 = tpu.memref_slice %arg12[%scan3A_120, %dma_start3A_191] : memref<32x512xf32, #tpu.memory_space<vmem>> -> memref<1x128xf32, #tpu.memory_space<vmem>>
      %dma_start3A_193 = tpu.memref_squeeze %dma_start3A_192 : memref<1x128xf32, #tpu.memory_space<vmem>> -> memref<128xf32, #tpu.memory_space<vmem>>
      %dma_start3A_194 = arith.constant 384 : i32
      %dma_start3A_195 = tpu.memref_slice %arg10[%dma_start3A_194] : memref<512xi32, #tpu.memory_space<vmem>> -> memref<128xi32, #tpu.memory_space<vmem>>
      %dma_start3A_196 = arith.constant 0 : i32
      %dma_start3A_197 = tpu.memref_slice %arg5[%scan3A_120, %dma_start3A_196] : memref<32x1015808xf32, #tpu.memory_space<hbm>> -> memref<1x1015808xf32, #tpu.memory_space<hbm>>
      %dma_start3A_198 = tpu.memref_squeeze %dma_start3A_197 : memref<1x1015808xf32, #tpu.memory_space<hbm>> -> memref<1015808xf32, #tpu.memory_space<hbm>>
      %dma_start3A_199 = arith.constant 0 : i32
      %dma_start3A_200 = tpu.memref_slice %dma_start3A_198[%dma_start3A_199] : memref<1015808xf32, #tpu.memory_space<hbm>> -> memref<1015808xf32, #tpu.memory_space<hbm>>
      tpu.enqueue_indirect_dma source(%dma_start3A_200 : memref<1015808xf32, #tpu.memory_space<hbm>>) target(%dma_start3A_193 : memref<128xf32, #tpu.memory_space<vmem>>) offsets(%dma_start3A_195 : memref<128xi32, #tpu.memory_space<vmem>>) semaphore(%arg16 : memref<!tpu.dma_semaphore, #tpu.memory_space<semaphore_mem>>)
    }
    %scan3A_52 = arith.constant 32 : i32
    %dma_wait3A = arith.constant 0 : i32
    %dma_wait3A_53 = arith.constant 0 : i32
    %dma_wait3A_54 = tpu.memref_slice %arg4[%dma_wait3A, %dma_wait3A_53] : memref<32x1015808xf32, #tpu.memory_space<hbm>> -> memref<32x512xf32, #tpu.memory_space<hbm>>
    %dma_wait3A_55 = arith.constant 0 : i32
    %dma_wait3A_56 = arith.constant 0 : i32
    %dma_wait3A_57 = tpu.memref_slice %arg4[%dma_wait3A_55, %dma_wait3A_56] : memref<32x1015808xf32, #tpu.memory_space<hbm>> -> memref<32x512xf32, #tpu.memory_space<hbm>>
    tpu.wait_dma2 semaphore(%arg16 : memref<!tpu.dma_semaphore, #tpu.memory_space<semaphore_mem>>) src(%dma_wait3A_57 : memref<32x512xf32, #tpu.memory_space<hbm>>) dst(%arg11 : memref<32x512xf32, #tpu.memory_space<vmem>>)
    %dma_wait3A_58 = arith.constant 0 : i32
    %dma_wait3A_59 = arith.constant 0 : i32
    %dma_wait3A_60 = tpu.memref_slice %arg5[%dma_wait3A_58, %dma_wait3A_59] : memref<32x1015808xf32, #tpu.memory_space<hbm>> -> memref<32x512xf32, #tpu.memory_space<hbm>>
    %dma_wait3A_61 = arith.constant 0 : i32
    %dma_wait3A_62 = arith.constant 0 : i32
    %dma_wait3A_63 = tpu.memref_slice %arg5[%dma_wait3A_61, %dma_wait3A_62] : memref<32x1015808xf32, #tpu.memory_space<hbm>> -> memref<32x512xf32, #tpu.memory_space<hbm>>
    tpu.wait_dma2 semaphore(%arg16 : memref<!tpu.dma_semaphore, #tpu.memory_space<semaphore_mem>>) src(%dma_wait3A_63 : memref<32x512xf32, #tpu.memory_space<hbm>>) dst(%arg12 : memref<32x512xf32, #tpu.memory_space<vmem>>)
    %dma_wait3A_64 = arith.constant 0 : i32
    %dma_wait3A_65 = tpu.memref_slice %arg13[%dma_wait3A_64] : memref<512xf32, #tpu.memory_space<vmem>> -> memref<128xf32, #tpu.memory_space<vmem>>
    %dma_wait3A_66 = arith.constant 0 : i32
    %dma_wait3A_67 = tpu.memref_slice %arg9[%dma_wait3A_66] : memref<512xi32, #tpu.memory_space<vmem>> -> memref<128xi32, #tpu.memory_space<vmem>>
    %dma_wait3A_68 = arith.constant 0 : i32
    %dma_wait3A_69 = tpu.memref_slice %arg6[%dma_wait3A_68] : memref<1000001xf32, #tpu.memory_space<hbm>> -> memref<1000001xf32, #tpu.memory_space<hbm>>
    tpu.wait_indirect_dma semaphore(%arg16 : memref<!tpu.dma_semaphore, #tpu.memory_space<semaphore_mem>>) src(%dma_wait3A_69 : memref<1000001xf32, #tpu.memory_space<hbm>>) dst(%dma_wait3A_65 : memref<128xf32, #tpu.memory_space<vmem>>)
    %dma_wait3A_70 = arith.constant 0 : i32
    %dma_wait3A_71 = tpu.memref_slice %arg14[%dma_wait3A_70] : memref<512xf32, #tpu.memory_space<vmem>> -> memref<128xf32, #tpu.memory_space<vmem>>
    %dma_wait3A_72 = arith.constant 0 : i32
    %dma_wait3A_73 = tpu.memref_slice %arg10[%dma_wait3A_72] : memref<512xi32, #tpu.memory_space<vmem>> -> memref<128xi32, #tpu.memory_space<vmem>>
    %dma_wait3A_74 = arith.constant 0 : i32
    %dma_wait3A_75 = tpu.memref_slice %arg7[%dma_wait3A_74] : memref<1000001xf32, #tpu.memory_space<hbm>> -> memref<1000001xf32, #tpu.memory_space<hbm>>
    tpu.wait_indirect_dma semaphore(%arg16 : memref<!tpu.dma_semaphore, #tpu.memory_space<semaphore_mem>>) src(%dma_wait3A_75 : memref<1000001xf32, #tpu.memory_space<hbm>>) dst(%dma_wait3A_71 : memref<128xf32, #tpu.memory_space<vmem>>)
    %dma_wait3A_76 = arith.constant 128 : i32
    %dma_wait3A_77 = tpu.memref_slice %arg13[%dma_wait3A_76] : memref<512xf32, #tpu.memory_space<vmem>> -> memref<128xf32, #tpu.memory_space<vmem>>
    %dma_wait3A_78 = arith.constant 128 : i32
    %dma_wait3A_79 = tpu.memref_slice %arg9[%dma_wait3A_78] : memref<512xi32, #tpu.memory_space<vmem>> -> memref<128xi32, #tpu.memory_space<vmem>>
    %dma_wait3A_80 = arith.constant 0 : i32
    %dma_wait3A_81 = tpu.memref_slice %arg6[%dma_wait3A_80] : memref<1000001xf32, #tpu.memory_space<hbm>> -> memref<1000001xf32, #tpu.memory_space<hbm>>
    tpu.wait_indirect_dma semaphore(%arg16 : memref<!tpu.dma_semaphore, #tpu.memory_space<semaphore_mem>>) src(%dma_wait3A_81 : memref<1000001xf32, #tpu.memory_space<hbm>>) dst(%dma_wait3A_77 : memref<128xf32, #tpu.memory_space<vmem>>)
    %dma_wait3A_82 = arith.constant 128 : i32
    %dma_wait3A_83 = tpu.memref_slice %arg14[%dma_wait3A_82] : memref<512xf32, #tpu.memory_space<vmem>> -> memref<128xf32, #tpu.memory_space<vmem>>
    %dma_wait3A_84 = arith.constant 128 : i32
    %dma_wait3A_85 = tpu.memref_slice %arg10[%dma_wait3A_84] : memref<512xi32, #tpu.memory_space<vmem>> -> memref<128xi32, #tpu.memory_space<vmem>>
    %dma_wait3A_86 = arith.constant 0 : i32
    %dma_wait3A_87 = tpu.memref_slice %arg7[%dma_wait3A_86] : memref<1000001xf32, #tpu.memory_space<hbm>> -> memref<1000001xf32, #tpu.memory_space<hbm>>
    tpu.wait_indirect_dma semaphore(%arg16 : memref<!tpu.dma_semaphore, #tpu.memory_space<semaphore_mem>>) src(%dma_wait3A_87 : memref<1000001xf32, #tpu.memory_space<hbm>>) dst(%dma_wait3A_83 : memref<128xf32, #tpu.memory_space<vmem>>)
    %dma_wait3A_88 = arith.constant 256 : i32
    %dma_wait3A_89 = tpu.memref_slice %arg13[%dma_wait3A_88] : memref<512xf32, #tpu.memory_space<vmem>> -> memref<128xf32, #tpu.memory_space<vmem>>
    %dma_wait3A_90 = arith.constant 256 : i32
    %dma_wait3A_91 = tpu.memref_slice %arg9[%dma_wait3A_90] : memref<512xi32, #tpu.memory_space<vmem>> -> memref<128xi32, #tpu.memory_space<vmem>>
    %dma_wait3A_92 = arith.constant 0 : i32
    %dma_wait3A_93 = tpu.memref_slice %arg6[%dma_wait3A_92] : memref<1000001xf32, #tpu.memory_space<hbm>> -> memref<1000001xf32, #tpu.memory_space<hbm>>
    tpu.wait_indirect_dma semaphore(%arg16 : memref<!tpu.dma_semaphore, #tpu.memory_space<semaphore_mem>>) src(%dma_wait3A_93 : memref<1000001xf32, #tpu.memory_space<hbm>>) dst(%dma_wait3A_89 : memref<128xf32, #tpu.memory_space<vmem>>)
    %dma_wait3A_94 = arith.constant 256 : i32
    %dma_wait3A_95 = tpu.memref_slice %arg14[%dma_wait3A_94] : memref<512xf32, #tpu.memory_space<vmem>> -> memref<128xf32, #tpu.memory_space<vmem>>
    %dma_wait3A_96 = arith.constant 256 : i32
    %dma_wait3A_97 = tpu.memref_slice %arg10[%dma_wait3A_96] : memref<512xi32, #tpu.memory_space<vmem>> -> memref<128xi32, #tpu.memory_space<vmem>>
    %dma_wait3A_98 = arith.constant 0 : i32
    %dma_wait3A_99 = tpu.memref_slice %arg7[%dma_wait3A_98] : memref<1000001xf32, #tpu.memory_space<hbm>> -> memref<1000001xf32, #tpu.memory_space<hbm>>
    tpu.wait_indirect_dma semaphore(%arg16 : memref<!tpu.dma_semaphore, #tpu.memory_space<semaphore_mem>>) src(%dma_wait3A_99 : memref<1000001xf32, #tpu.memory_space<hbm>>) dst(%dma_wait3A_95 : memref<128xf32, #tpu.memory_space<vmem>>)
    %dma_wait3A_100 = arith.constant 384 : i32
    %dma_wait3A_101 = tpu.memref_slice %arg13[%dma_wait3A_100] : memref<512xf32, #tpu.memory_space<vmem>> -> memref<128xf32, #tpu.memory_space<vmem>>
    %dma_wait3A_102 = arith.constant 384 : i32
    %dma_wait3A_103 = tpu.memref_slice %arg9[%dma_wait3A_102] : memref<512xi32, #tpu.memory_space<vmem>> -> memref<128xi32, #tpu.memory_space<vmem>>
    %dma_wait3A_104 = arith.constant 0 : i32
    %dma_wait3A_105 = tpu.memref_slice %arg6[%dma_wait3A_104] : memref<1000001xf32, #tpu.memory_space<hbm>> -> memref<1000001xf32, #tpu.memory_space<hbm>>
    tpu.wait_indirect_dma semaphore(%arg16 : memref<!tpu.dma_semaphore, #tpu.memory_space<semaphore_mem>>) src(%dma_wait3A_105 : memref<1000001xf32, #tpu.memory_space<hbm>>) dst(%dma_wait3A_101 : memref<128xf32, #tpu.memory_space<vmem>>)
    %dma_wait3A_106 = arith.constant 384 : i32
    %dma_wait3A_107 = tpu.memref_slice %arg14[%dma_wait3A_106] : memref<512xf32, #tpu.memory_space<vmem>> -> memref<128xf32, #tpu.memory_space<vmem>>
    %dma_wait3A_108 = arith.constant 384 : i32
    %dma_wait3A_109 = tpu.memref_slice %arg10[%dma_wait3A_108] : memref<512xi32, #tpu.memory_space<vmem>> -> memref<128xi32, #tpu.memory_space<vmem>>
    %dma_wait3A_110 = arith.constant 0 : i32
    %dma_wait3A_111 = tpu.memref_slice %arg7[%dma_wait3A_110] : memref<1000001xf32, #tpu.memory_space<hbm>> -> memref<1000001xf32, #tpu.memory_space<hbm>>
    tpu.wait_indirect_dma semaphore(%arg16 : memref<!tpu.dma_semaphore, #tpu.memory_space<semaphore_mem>>) src(%dma_wait3A_111 : memref<1000001xf32, #tpu.memory_space<hbm>>) dst(%dma_wait3A_107 : memref<128xf32, #tpu.memory_space<vmem>>)
    %scan3A_112 = arith.constant 0 : i32
    %scan3A_113 = arith.constant 0 : i32
    %scan3A_114 = arith.constant 32 : i32
    %scan3A_115 = arith.addi %scan3A_113, %scan3A_114 : i32
    %scan3A_116 = arith.constant 1 : i32
    scf.for %scan3A_120 = %scan3A_113 to %scan3A_115 step %scan3A_116  : i32 {
      %mul3A_121 = arith.constant 16 : i32
      %mul3A_122 = arith.muli %scan3A_120, %mul3A_121 : i32
      %get3A = arith.index_cast %mul3A_122 : i32 to index
      %get3A_123 = tpu.vector_load %arg13[%get3A] {strides = array<i32>} : memref<512xf32, #tpu.memory_space<vmem>>, vector<16xf32>,
      %get3A_124 = vector.shape_cast %get3A_123 : vector<16xf32> to vector<16xf32>
      %get3A_125 = arith.index_cast %mul3A_122 : i32 to index
      %get3A_126 = tpu.vector_load %arg14[%get3A_125] {strides = array<i32>} : memref<512xf32, #tpu.memory_space<vmem>>, vector<16xf32>,
      %get3A_127 = vector.shape_cast %get3A_126 : vector<16xf32> to vector<16xf32>
      %add3A_128 = arith.addf %get3A_124, %get3A_127 : vector<16xf32>
      %get3A_129 = arith.constant 0 : i32
      %get3A_130 = arith.index_cast %get3A_129 : i32 to index
      %get3A_131 = arith.index_cast %mul3A_122 : i32 to index
      %get3A_132 = tpu.vector_load %arg11[%get3A_130, %get3A_131] {strides = array<i32>} : memref<32x512xf32, #tpu.memory_space<vmem>>, vector<1x16xf32>,
      %get3A_133 = vector.shape_cast %get3A_132 : vector<1x16xf32> to vector<16xf32>
      %get3A_134 = arith.constant 0 : i32
      %get3A_135 = arith.index_cast %get3A_134 : i32 to index
      %get3A_136 = arith.index_cast %mul3A_122 : i32 to index
      %get3A_137 = tpu.vector_load %arg12[%get3A_135, %get3A_136] {strides = array<i32>} : memref<32x512xf32, #tpu.memory_space<vmem>>, vector<1x16xf32>,
      %get3A_138 = vector.shape_cast %get3A_137 : vector<1x16xf32> to vector<16xf32>
      %mul3A_139 = arith.mulf %get3A_133, %get3A_138 : vector<16xf32>
      %add3A_140 = arith.addf %add3A_128, %mul3A_139 : vector<16xf32>
      %get3A_141 = arith.constant 1 : i32
      %get3A_142 = arith.index_cast %get3A_141 : i32 to index
      %get3A_143 = arith.index_cast %mul3A_122 : i32 to index
      %get3A_144 = tpu.vector_load %arg11[%get3A_142, %get3A_143] {strides = array<i32>} : memref<32x512xf32, #tpu.memory_space<vmem>>, vector<1x16xf32>,
      %get3A_145 = vector.shape_cast %get3A_144 : vector<1x16xf32> to vector<16xf32>
      %get3A_146 = arith.constant 1 : i32
      %get3A_147 = arith.index_cast %get3A_146 : i32 to index
      %get3A_148 = arith.index_cast %mul3A_122 : i32 to index
      %get3A_149 = tpu.vector_load %arg12[%get3A_147, %get3A_148] {strides = array<i32>} : memref<32x512xf32, #tpu.memory_space<vmem>>, vector<1x16xf32>,
      %get3A_150 = vector.shape_cast %get3A_149 : vector<1x16xf32> to vector<16xf32>
      %mul3A_151 = arith.mulf %get3A_145, %get3A_150 : vector<16xf32>
      %add3A_152 = arith.addf %add3A_140, %mul3A_151 : vector<16xf32>
      %get3A_153 = arith.constant 2 : i32
      %get3A_154 = arith.index_cast %get3A_153 : i32 to index
      %get3A_155 = arith.index_cast %mul3A_122 : i32 to index
      %get3A_156 = tpu.vector_load %arg11[%get3A_154, %get3A_155] {strides = array<i32>} : memref<32x512xf32, #tpu.memory_space<vmem>>, vector<1x16xf32>,
      %get3A_157 = vector.shape_cast %get3A_156 : vector<1x16xf32> to vector<16xf32>
      %get3A_158 = arith.constant 2 : i32
      %get3A_159 = arith.index_cast %get3A_158 : i32 to index
      %get3A_160 = arith.index_cast %mul3A_122 : i32 to index
      %get3A_161 = tpu.vector_load %arg12[%get3A_159, %get3A_160] {strides = array<i32>} : memref<32x512xf32, #tpu.memory_space<vmem>>, vector<1x16xf32>,
      %get3A_162 = vector.shape_cast %get3A_161 : vector<1x16xf32> to vector<16xf32>
      %mul3A_163 = arith.mulf %get3A_157, %get3A_162 : vector<16xf32>
      %add3A_164 = arith.addf %add3A_152, %mul3A_163 : vector<16xf32>
      %get3A_165 = arith.constant 3 : i32
      %get3A_166 = arith.index_cast %get3A_165 : i32 to index
      %get3A_167 = arith.index_cast %mul3A_122 : i32 to index
      %get3A_168 = tpu.vector_load %arg11[%get3A_166, %get3A_167] {strides = array<i32>} : memref<32x512xf32, #tpu.memory_space<vmem>>, vector<1x16xf32>,
      %get3A_169 = vector.shape_cast %get3A_168 : vector<1x16xf32> to vector<16xf32>
      %get3A_170 = arith.constant 3 : i32
      %get3A_171 = arith.index_cast %get3A_170 : i32 to index
      %get3A_172 = arith.index_cast %mul3A_122 : i32 to index
      %get3A_173 = tpu.vector_load %arg12[%get3A_171, %get3A_172] {strides = array<i32>} : memref<32x512xf32, #tpu.memory_space<vmem>>, vector<1x16xf32>,
      %get3A_174 = vector.shape_cast %get3A_173 : vector<1x16xf32> to vector<16xf32>
      %mul3A_175 = arith.mulf %get3A_169, %get3A_174 : vector<16xf32>
      %add3A_176 = arith.addf %add3A_164, %mul3A_175 : vector<16xf32>
      %get3A_177 = arith.constant 4 : i32
      %get3A_178 = arith.index_cast %get3A_177 : i32 to index
      %get3A_179 = arith.index_cast %mul3A_122 : i32 to index
      %get3A_180 = tpu.vector_load %arg11[%get3A_178, %get3A_179] {strides = array<i32>} : memref<32x512xf32, #tpu.memory_space<vmem>>, vector<1x16xf32>,
      %get3A_181 = vector.shape_cast %get3A_180 : vector<1x16xf32> to vector<16xf32>
      %get3A_182 = arith.constant 4 : i32
      %get3A_183 = arith.index_cast %get3A_182 : i32 to index
      %get3A_184 = arith.index_cast %mul3A_122 : i32 to index
      %get3A_185 = tpu.vector_load %arg12[%get3A_183, %get3A_184] {strides = array<i32>} : memref<32x512xf32, #tpu.memory_space<vmem>>, vector<1x16xf32>,
      %get3A_186 = vector.shape_cast %get3A_185 : vector<1x16xf32> to vector<16xf32>
      %mul3A_187 = arith.mulf %get3A_181, %get3A_186 : vector<16xf32>
      %add3A_188 = arith.addf %add3A_176, %mul3A_187 : vector<16xf32>
      %get3A_189 = arith.constant 5 : i32
      %get3A_190 = arith.index_cast %get3A_189 : i32 to index
      %get3A_191 = arith.index_cast %mul3A_122 : i32 to index
      %get3A_192 = tpu.vector_load %arg11[%get3A_190, %get3A_191] {strides = array<i32>} : memref<32x512xf32, #tpu.memory_space<vmem>>, vector<1x16xf32>,
      %get3A_193 = vector.shape_cast %get3A_192 : vector<1x16xf32> to vector<16xf32>
      %get3A_194 = arith.constant 5 : i32
      %get3A_195 = arith.index_cast %get3A_194 : i32 to index
      %get3A_196 = arith.index_cast %mul3A_122 : i32 to index
      %get3A_197 = tpu.vector_load %arg12[%get3A_195, %get3A_196] {strides = array<i32>} : memref<32x512xf32, #tpu.memory_space<vmem>>, vector<1x16xf32>,
      %get3A_198 = vector.shape_cast %get3A_197 : vector<1x16xf32> to vector<16xf32>
      %mul3A_199 = arith.mulf %get3A_193, %get3A_198 : vector<16xf32>
      %add3A_200 = arith.addf %add3A_188, %mul3A_199 : vector<16xf32>
      %get3A_201 = arith.constant 6 : i32
      %get3A_202 = arith.index_cast %get3A_201 : i32 to index
      %get3A_203 = arith.index_cast %mul3A_122 : i32 to index
      %get3A_204 = tpu.vector_load %arg11[%get3A_202, %get3A_203] {strides = array<i32>} : memref<32x512xf32, #tpu.memory_space<vmem>>, vector<1x16xf32>,
      %get3A_205 = vector.shape_cast %get3A_204 : vector<1x16xf32> to vector<16xf32>
      %get3A_206 = arith.constant 6 : i32
      %get3A_207 = arith.index_cast %get3A_206 : i32 to index
      %get3A_208 = arith.index_cast %mul3A_122 : i32 to index
      %get3A_209 = tpu.vector_load %arg12[%get3A_207, %get3A_208] {strides = array<i32>} : memref<32x512xf32, #tpu.memory_space<vmem>>, vector<1x16xf32>,
      %get3A_210 = vector.shape_cast %get3A_209 : vector<1x16xf32> to vector<16xf32>
      %mul3A_211 = arith.mulf %get3A_205, %get3A_210 : vector<16xf32>
      %add3A_212 = arith.addf %add3A_200, %mul3A_211 : vector<16xf32>
      %get3A_213 = arith.constant 7 : i32
      %get3A_214 = arith.index_cast %get3A_213 : i32 to index
      %get3A_215 = arith.index_cast %mul3A_122 : i32 to index
      %get3A_216 = tpu.vector_load %arg11[%get3A_214, %get3A_215] {strides = array<i32>} : memref<32x512xf32, #tpu.memory_space<vmem>>, vector<1x16xf32>,
      %get3A_217 = vector.shape_cast %get3A_216 : vector<1x16xf32> to vector<16xf32>
      %get3A_218 = arith.constant 7 : i32
      %get3A_219 = arith.index_cast %get3A_218 : i32 to index
      %get3A_220 = arith.index_cast %mul3A_122 : i32 to index
      %get3A_221 = tpu.vector_load %arg12[%get3A_219, %get3A_220] {strides = array<i32>} : memref<32x512xf32, #tpu.memory_space<vmem>>, vector<1x16xf32>,
      %get3A_222 = vector.shape_cast %get3A_221 : vector<1x16xf32> to vector<16xf32>
      %mul3A_223 = arith.mulf %get3A_217, %get3A_222 : vector<16xf32>
      %add3A_224 = arith.addf %add3A_212, %mul3A_223 : vector<16xf32>
      %get3A_225 = arith.constant 8 : i32
      %get3A_226 = arith.index_cast %get3A_225 : i32 to index
      %get3A_227 = arith.index_cast %mul3A_122 : i32 to index
      %get3A_228 = tpu.vector_load %arg11[%get3A_226, %get3A_227] {strides = array<i32>} : memref<32x512xf32, #tpu.memory_space<vmem>>, vector<1x16xf32>,
      %get3A_229 = vector.shape_cast %get3A_228 : vector<1x16xf32> to vector<16xf32>
      %get3A_230 = arith.constant 8 : i32
      %get3A_231 = arith.index_cast %get3A_230 : i32 to index
      %get3A_232 = arith.index_cast %mul3A_122 : i32 to index
      %get3A_233 = tpu.vector_load %arg12[%get3A_231, %get3A_232] {strides = array<i32>} : memref<32x512xf32, #tpu.memory_space<vmem>>, vector<1x16xf32>,
      %get3A_234 = vector.shape_cast %get3A_233 : vector<1x16xf32> to vector<16xf32>
      %mul3A_235 = arith.mulf %get3A_229, %get3A_234 : vector<16xf32>
      %add3A_236 = arith.addf %add3A_224, %mul3A_235 : vector<16xf32>
      %get3A_237 = arith.constant 9 : i32
      %get3A_238 = arith.index_cast %get3A_237 : i32 to index
      %get3A_239 = arith.index_cast %mul3A_122 : i32 to index
      %get3A_240 = tpu.vector_load %arg11[%get3A_238, %get3A_239] {strides = array<i32>} : memref<32x512xf32, #tpu.memory_space<vmem>>, vector<1x16xf32>,
      %get3A_241 = vector.shape_cast %get3A_240 : vector<1x16xf32> to vector<16xf32>
      %get3A_242 = arith.constant 9 : i32
      %get3A_243 = arith.index_cast %get3A_242 : i32 to index
      %get3A_244 = arith.index_cast %mul3A_122 : i32 to index
      %get3A_245 = tpu.vector_load %arg12[%get3A_243, %get3A_244] {strides = array<i32>} : memref<32x512xf32, #tpu.memory_space<vmem>>, vector<1x16xf32>,
      %get3A_246 = vector.shape_cast %get3A_245 : vector<1x16xf32> to vector<16xf32>
      %mul3A_247 = arith.mulf %get3A_241, %get3A_246 : vector<16xf32>
      %add3A_248 = arith.addf %add3A_236, %mul3A_247 : vector<16xf32>
      %get3A_249 = arith.constant 10 : i32
      %get3A_250 = arith.index_cast %get3A_249 : i32 to index
      %get3A_251 = arith.index_cast %mul3A_122 : i32 to index
      %get3A_252 = tpu.vector_load %arg11[%get3A_250, %get3A_251] {strides = array<i32>} : memref<32x512xf32, #tpu.memory_space<vmem>>, vector<1x16xf32>,
      %get3A_253 = vector.shape_cast %get3A_252 : vector<1x16xf32> to vector<16xf32>
      %get3A_254 = arith.constant 10 : i32
      %get3A_255 = arith.index_cast %get3A_254 : i32 to index
      %get3A_256 = arith.index_cast %mul3A_122 : i32 to index
      %get3A_257 = tpu.vector_load %arg12[%get3A_255, %get3A_256] {strides = array<i32>} : memref<32x512xf32, #tpu.memory_space<vmem>>, vector<1x16xf32>,
      %get3A_258 = vector.shape_cast %get3A_257 : vector<1x16xf32> to vector<16xf32>
      %mul3A_259 = arith.mulf %get3A_253, %get3A_258 : vector<16xf32>
      %add3A_260 = arith.addf %add3A_248, %mul3A_259 : vector<16xf32>
      %get3A_261 = arith.constant 11 : i32
      %get3A_262 = arith.index_cast %get3A_261 : i32 to index
      %get3A_263 = arith.index_cast %mul3A_122 : i32 to index
      %get3A_264 = tpu.vector_load %arg11[%get3A_262, %get3A_263] {strides = array<i32>} : memref<32x512xf32, #tpu.memory_space<vmem>>, vector<1x16xf32>,
      %get3A_265 = vector.shape_cast %get3A_264 : vector<1x16xf32> to vector<16xf32>
      %get3A_266 = arith.constant 11 : i32
      %get3A_267 = arith.index_cast %get3A_266 : i32 to index
      %get3A_268 = arith.index_cast %mul3A_122 : i32 to index
      %get3A_269 = tpu.vector_load %arg12[%get3A_267, %get3A_268] {strides = array<i32>} : memref<32x512xf32, #tpu.memory_space<vmem>>, vector<1x16xf32>,
      %get3A_270 = vector.shape_cast %get3A_269 : vector<1x16xf32> to vector<16xf32>
      %mul3A_271 = arith.mulf %get3A_265, %get3A_270 : vector<16xf32>
      %add3A_272 = arith.addf %add3A_260, %mul3A_271 : vector<16xf32>
      %get3A_273 = arith.constant 12 : i32
      %get3A_274 = arith.index_cast %get3A_273 : i32 to index
      %get3A_275 = arith.index_cast %mul3A_122 : i32 to index
      %get3A_276 = tpu.vector_load %arg11[%get3A_274, %get3A_275] {strides = array<i32>} : memref<32x512xf32, #tpu.memory_space<vmem>>, vector<1x16xf32>,
      %get3A_277 = vector.shape_cast %get3A_276 : vector<1x16xf32> to vector<16xf32>
      %get3A_278 = arith.constant 12 : i32
      %get3A_279 = arith.index_cast %get3A_278 : i32 to index
      %get3A_280 = arith.index_cast %mul3A_122 : i32 to index
      %get3A_281 = tpu.vector_load %arg12[%get3A_279, %get3A_280] {strides = array<i32>} : memref<32x512xf32, #tpu.memory_space<vmem>>, vector<1x16xf32>,
      %get3A_282 = vector.shape_cast %get3A_281 : vector<1x16xf32> to vector<16xf32>
      %mul3A_283 = arith.mulf %get3A_277, %get3A_282 : vector<16xf32>
      %add3A_284 = arith.addf %add3A_272, %mul3A_283 : vector<16xf32>
      %get3A_285 = arith.constant 13 : i32
      %get3A_286 = arith.index_cast %get3A_285 : i32 to index
      %get3A_287 = arith.index_cast %mul3A_122 : i32 to index
      %get3A_288 = tpu.vector_load %arg11[%get3A_286, %get3A_287] {strides = array<i32>} : memref<32x512xf32, #tpu.memory_space<vmem>>, vector<1x16xf32>,
      %get3A_289 = vector.shape_cast %get3A_288 : vector<1x16xf32> to vector<16xf32>
      %get3A_290 = arith.constant 13 : i32
      %get3A_291 = arith.index_cast %get3A_290 : i32 to index
      %get3A_292 = arith.index_cast %mul3A_122 : i32 to index
      %get3A_293 = tpu.vector_load %arg12[%get3A_291, %get3A_292] {strides = array<i32>} : memref<32x512xf32, #tpu.memory_space<vmem>>, vector<1x16xf32>,
      %get3A_294 = vector.shape_cast %get3A_293 : vector<1x16xf32> to vector<16xf32>
      %mul3A_295 = arith.mulf %get3A_289, %get3A_294 : vector<16xf32>
      %add3A_296 = arith.addf %add3A_284, %mul3A_295 : vector<16xf32>
      %get3A_297 = arith.constant 14 : i32
      %get3A_298 = arith.index_cast %get3A_297 : i32 to index
      %get3A_299 = arith.index_cast %mul3A_122 : i32 to index
      %get3A_300 = tpu.vector_load %arg11[%get3A_298, %get3A_299] {strides = array<i32>} : memref<32x512xf32, #tpu.memory_space<vmem>>, vector<1x16xf32>,
      %get3A_301 = vector.shape_cast %get3A_300 : vector<1x16xf32> to vector<16xf32>
      %get3A_302 = arith.constant 14 : i32
      %get3A_303 = arith.index_cast %get3A_302 : i32 to index
      %get3A_304 = arith.index_cast %mul3A_122 : i32 to index
      %get3A_305 = tpu.vector_load %arg12[%get3A_303, %get3A_304] {strides = array<i32>} : memref<32x512xf32, #tpu.memory_space<vmem>>, vector<1x16xf32>,
      %get3A_306 = vector.shape_cast %get3A_305 : vector<1x16xf32> to vector<16xf32>
      %mul3A_307 = arith.mulf %get3A_301, %get3A_306 : vector<16xf32>
      %add3A_308 = arith.addf %add3A_296, %mul3A_307 : vector<16xf32>
      %get3A_309 = arith.constant 15 : i32
      %get3A_310 = arith.index_cast %get3A_309 : i32 to index
      %get3A_311 = arith.index_cast %mul3A_122 : i32 to index
      %get3A_312 = tpu.vector_load %arg11[%get3A_310, %get3A_311] {strides = array<i32>} : memref<32x512xf32, #tpu.memory_space<vmem>>, vector<1x16xf32>,
      %get3A_313 = vector.shape_cast %get3A_312 : vector<1x16xf32> to vector<16xf32>
      %get3A_314 = arith.constant 15 : i32
      %get3A_315 = arith.index_cast %get3A_314 : i32 to index
      %get3A_316 = arith.index_cast %mul3A_122 : i32 to index
      %get3A_317 = tpu.vector_load %arg12[%get3A_315, %get3A_316] {strides = array<i32>} : memref<32x512xf32, #tpu.memory_space<vmem>>, vector<1x16xf32>,
      %get3A_318 = vector.shape_cast %get3A_317 : vector<1x16xf32> to vector<16xf32>
      %mul3A_319 = arith.mulf %get3A_313, %get3A_318 : vector<16xf32>
      %add3A_320 = arith.addf %add3A_308, %mul3A_319 : vector<16xf32>
      %get3A_321 = arith.constant 16 : i32
      %get3A_322 = arith.index_cast %get3A_321 : i32 to index
      %get3A_323 = arith.index_cast %mul3A_122 : i32 to index
      %get3A_324 = tpu.vector_load %arg11[%get3A_322, %get3A_323] {strides = array<i32>} : memref<32x512xf32, #tpu.memory_space<vmem>>, vector<1x16xf32>,
      %get3A_325 = vector.shape_cast %get3A_324 : vector<1x16xf32> to vector<16xf32>
      %get3A_326 = arith.constant 16 : i32
      %get3A_327 = arith.index_cast %get3A_326 : i32 to index
      %get3A_328 = arith.index_cast %mul3A_122 : i32 to index
      %get3A_329 = tpu.vector_load %arg12[%get3A_327, %get3A_328] {strides = array<i32>} : memref<32x512xf32, #tpu.memory_space<vmem>>, vector<1x16xf32>,
      %get3A_330 = vector.shape_cast %get3A_329 : vector<1x16xf32> to vector<16xf32>
      %mul3A_331 = arith.mulf %get3A_325, %get3A_330 : vector<16xf32>
      %add3A_332 = arith.addf %add3A_320, %mul3A_331 : vector<16xf32>
      %get3A_333 = arith.constant 17 : i32
      %get3A_334 = arith.index_cast %get3A_333 : i32 to index
      %get3A_335 = arith.index_cast %mul3A_122 : i32 to index
      %get3A_336 = tpu.vector_load %arg11[%get3A_334, %get3A_335] {strides = array<i32>} : memref<32x512xf32, #tpu.memory_space<vmem>>, vector<1x16xf32>,
      %get3A_337 = vector.shape_cast %get3A_336 : vector<1x16xf32> to vector<16xf32>
      %get3A_338 = arith.constant 17 : i32
      %get3A_339 = arith.index_cast %get3A_338 : i32 to index
      %get3A_340 = arith.index_cast %mul3A_122 : i32 to index
      %get3A_341 = tpu.vector_load %arg12[%get3A_339, %get3A_340] {strides = array<i32>} : memref<32x512xf32, #tpu.memory_space<vmem>>, vector<1x16xf32>,
      %get3A_342 = vector.shape_cast %get3A_341 : vector<1x16xf32> to vector<16xf32>
      %mul3A_343 = arith.mulf %get3A_337, %get3A_342 : vector<16xf32>
      %add3A_344 = arith.addf %add3A_332, %mul3A_343 : vector<16xf32>
      %get3A_345 = arith.constant 18 : i32
      %get3A_346 = arith.index_cast %get3A_345 : i32 to index
      %get3A_347 = arith.index_cast %mul3A_122 : i32 to index
      %get3A_348 = tpu.vector_load %arg11[%get3A_346, %get3A_347] {strides = array<i32>} : memref<32x512xf32, #tpu.memory_space<vmem>>, vector<1x16xf32>,
      %get3A_349 = vector.shape_cast %get3A_348 : vector<1x16xf32> to vector<16xf32>
      %get3A_350 = arith.constant 18 : i32
      %get3A_351 = arith.index_cast %get3A_350 : i32 to index
      %get3A_352 = arith.index_cast %mul3A_122 : i32 to index
      %get3A_353 = tpu.vector_load %arg12[%get3A_351, %get3A_352] {strides = array<i32>} : memref<32x512xf32, #tpu.memory_space<vmem>>, vector<1x16xf32>,
      %get3A_354 = vector.shape_cast %get3A_353 : vector<1x16xf32> to vector<16xf32>
      %mul3A_355 = arith.mulf %get3A_349, %get3A_354 : vector<16xf32>
      %add3A_356 = arith.addf %add3A_344, %mul3A_355 : vector<16xf32>
      %get3A_357 = arith.constant 19 : i32
      %get3A_358 = arith.index_cast %get3A_357 : i32 to index
      %get3A_359 = arith.index_cast %mul3A_122 : i32 to index
      %get3A_360 = tpu.vector_load %arg11[%get3A_358, %get3A_359] {strides = array<i32>} : memref<32x512xf32, #tpu.memory_space<vmem>>, vector<1x16xf32>,
      %get3A_361 = vector.shape_cast %get3A_360 : vector<1x16xf32> to vector<16xf32>
      %get3A_362 = arith.constant 19 : i32
      %get3A_363 = arith.index_cast %get3A_362 : i32 to index
      %get3A_364 = arith.index_cast %mul3A_122 : i32 to index
      %get3A_365 = tpu.vector_load %arg12[%get3A_363, %get3A_364] {strides = array<i32>} : memref<32x512xf32, #tpu.memory_space<vmem>>, vector<1x16xf32>,
      %get3A_366 = vector.shape_cast %get3A_365 : vector<1x16xf32> to vector<16xf32>
      %mul3A_367 = arith.mulf %get3A_361, %get3A_366 : vector<16xf32>
      %add3A_368 = arith.addf %add3A_356, %mul3A_367 : vector<16xf32>
      %get3A_369 = arith.constant 20 : i32
      %get3A_370 = arith.index_cast %get3A_369 : i32 to index
      %get3A_371 = arith.index_cast %mul3A_122 : i32 to index
      %get3A_372 = tpu.vector_load %arg11[%get3A_370, %get3A_371] {strides = array<i32>} : memref<32x512xf32, #tpu.memory_space<vmem>>, vector<1x16xf32>,
      %get3A_373 = vector.shape_cast %get3A_372 : vector<1x16xf32> to vector<16xf32>
      %get3A_374 = arith.constant 20 : i32
      %get3A_375 = arith.index_cast %get3A_374 : i32 to index
      %get3A_376 = arith.index_cast %mul3A_122 : i32 to index
      %get3A_377 = tpu.vector_load %arg12[%get3A_375, %get3A_376] {strides = array<i32>} : memref<32x512xf32, #tpu.memory_space<vmem>>, vector<1x16xf32>,
      %get3A_378 = vector.shape_cast %get3A_377 : vector<1x16xf32> to vector<16xf32>
      %mul3A_379 = arith.mulf %get3A_373, %get3A_378 : vector<16xf32>
      %add3A_380 = arith.addf %add3A_368, %mul3A_379 : vector<16xf32>
      %get3A_381 = arith.constant 21 : i32
      %get3A_382 = arith.index_cast %get3A_381 : i32 to index
      %get3A_383 = arith.index_cast %mul3A_122 : i32 to index
      %get3A_384 = tpu.vector_load %arg11[%get3A_382, %get3A_383] {strides = array<i32>} : memref<32x512xf32, #tpu.memory_space<vmem>>, vector<1x16xf32>,
      %get3A_385 = vector.shape_cast %get3A_384 : vector<1x16xf32> to vector<16xf32>
      %get3A_386 = arith.constant 21 : i32
      %get3A_387 = arith.index_cast %get3A_386 : i32 to index
      %get3A_388 = arith.index_cast %mul3A_122 : i32 to index
      %get3A_389 = tpu.vector_load %arg12[%get3A_387, %get3A_388] {strides = array<i32>} : memref<32x512xf32, #tpu.memory_space<vmem>>, vector<1x16xf32>,
      %get3A_390 = vector.shape_cast %get3A_389 : vector<1x16xf32> to vector<16xf32>
      %mul3A_391 = arith.mulf %get3A_385, %get3A_390 : vector<16xf32>
      %add3A_392 = arith.addf %add3A_380, %mul3A_391 : vector<16xf32>
      %get3A_393 = arith.constant 22 : i32
      %get3A_394 = arith.index_cast %get3A_393 : i32 to index
      %get3A_395 = arith.index_cast %mul3A_122 : i32 to index
      %get3A_396 = tpu.vector_load %arg11[%get3A_394, %get3A_395] {strides = array<i32>} : memref<32x512xf32, #tpu.memory_space<vmem>>, vector<1x16xf32>,
      %get3A_397 = vector.shape_cast %get3A_396 : vector<1x16xf32> to vector<16xf32>
      %get3A_398 = arith.constant 22 : i32
      %get3A_399 = arith.index_cast %get3A_398 : i32 to index
      %get3A_400 = arith.index_cast %mul3A_122 : i32 to index
      %get3A_401 = tpu.vector_load %arg12[%get3A_399, %get3A_400] {strides = array<i32>} : memref<32x512xf32, #tpu.memory_space<vmem>>, vector<1x16xf32>,
      %get3A_402 = vector.shape_cast %get3A_401 : vector<1x16xf32> to vector<16xf32>
      %mul3A_403 = arith.mulf %get3A_397, %get3A_402 : vector<16xf32>
      %add3A_404 = arith.addf %add3A_392, %mul3A_403 : vector<16xf32>
      %get3A_405 = arith.constant 23 : i32
      %get3A_406 = arith.index_cast %get3A_405 : i32 to index
      %get3A_407 = arith.index_cast %mul3A_122 : i32 to index
      %get3A_408 = tpu.vector_load %arg11[%get3A_406, %get3A_407] {strides = array<i32>} : memref<32x512xf32, #tpu.memory_space<vmem>>, vector<1x16xf32>,
      %get3A_409 = vector.shape_cast %get3A_408 : vector<1x16xf32> to vector<16xf32>
      %get3A_410 = arith.constant 23 : i32
      %get3A_411 = arith.index_cast %get3A_410 : i32 to index
      %get3A_412 = arith.index_cast %mul3A_122 : i32 to index
      %get3A_413 = tpu.vector_load %arg12[%get3A_411, %get3A_412] {strides = array<i32>} : memref<32x512xf32, #tpu.memory_space<vmem>>, vector<1x16xf32>,
      %get3A_414 = vector.shape_cast %get3A_413 : vector<1x16xf32> to vector<16xf32>
      %mul3A_415 = arith.mulf %get3A_409, %get3A_414 : vector<16xf32>
      %add3A_416 = arith.addf %add3A_404, %mul3A_415 : vector<16xf32>
      %get3A_417 = arith.constant 24 : i32
      %get3A_418 = arith.index_cast %get3A_417 : i32 to index
      %get3A_419 = arith.index_cast %mul3A_122 : i32 to index
      %get3A_420 = tpu.vector_load %arg11[%get3A_418, %get3A_419] {strides = array<i32>} : memref<32x512xf32, #tpu.memory_space<vmem>>, vector<1x16xf32>,
      %get3A_421 = vector.shape_cast %get3A_420 : vector<1x16xf32> to vector<16xf32>
      %get3A_422 = arith.constant 24 : i32
      %get3A_423 = arith.index_cast %get3A_422 : i32 to index
      %get3A_424 = arith.index_cast %mul3A_122 : i32 to index
      %get3A_425 = tpu.vector_load %arg12[%get3A_423, %get3A_424] {strides = array<i32>} : memref<32x512xf32, #tpu.memory_space<vmem>>, vector<1x16xf32>,
      %get3A_426 = vector.shape_cast %get3A_425 : vector<1x16xf32> to vector<16xf32>
      %mul3A_427 = arith.mulf %get3A_421, %get3A_426 : vector<16xf32>
      %add3A_428 = arith.addf %add3A_416, %mul3A_427 : vector<16xf32>
      %get3A_429 = arith.constant 25 : i32
      %get3A_430 = arith.index_cast %get3A_429 : i32 to index
      %get3A_431 = arith.index_cast %mul3A_122 : i32 to index
      %get3A_432 = tpu.vector_load %arg11[%get3A_430, %get3A_431] {strides = array<i32>} : memref<32x512xf32, #tpu.memory_space<vmem>>, vector<1x16xf32>,
      %get3A_433 = vector.shape_cast %get3A_432 : vector<1x16xf32> to vector<16xf32>
      %get3A_434 = arith.constant 25 : i32
      %get3A_435 = arith.index_cast %get3A_434 : i32 to index
      %get3A_436 = arith.index_cast %mul3A_122 : i32 to index
      %get3A_437 = tpu.vector_load %arg12[%get3A_435, %get3A_436] {strides = array<i32>} : memref<32x512xf32, #tpu.memory_space<vmem>>, vector<1x16xf32>,
      %get3A_438 = vector.shape_cast %get3A_437 : vector<1x16xf32> to vector<16xf32>
      %mul3A_439 = arith.mulf %get3A_433, %get3A_438 : vector<16xf32>
      %add3A_440 = arith.addf %add3A_428, %mul3A_439 : vector<16xf32>
      %get3A_441 = arith.constant 26 : i32
      %get3A_442 = arith.index_cast %get3A_441 : i32 to index
      %get3A_443 = arith.index_cast %mul3A_122 : i32 to index
      %get3A_444 = tpu.vector_load %arg11[%get3A_442, %get3A_443] {strides = array<i32>} : memref<32x512xf32, #tpu.memory_space<vmem>>, vector<1x16xf32>,
      %get3A_445 = vector.shape_cast %get3A_444 : vector<1x16xf32> to vector<16xf32>
      %get3A_446 = arith.constant 26 : i32
      %get3A_447 = arith.index_cast %get3A_446 : i32 to index
      %get3A_448 = arith.index_cast %mul3A_122 : i32 to index
      %get3A_449 = tpu.vector_load %arg12[%get3A_447, %get3A_448] {strides = array<i32>} : memref<32x512xf32, #tpu.memory_space<vmem>>, vector<1x16xf32>,
      %get3A_450 = vector.shape_cast %get3A_449 : vector<1x16xf32> to vector<16xf32>
      %mul3A_451 = arith.mulf %get3A_445, %get3A_450 : vector<16xf32>
      %add3A_452 = arith.addf %add3A_440, %mul3A_451 : vector<16xf32>
      %get3A_453 = arith.constant 27 : i32
      %get3A_454 = arith.index_cast %get3A_453 : i32 to index
      %get3A_455 = arith.index_cast %mul3A_122 : i32 to index
      %get3A_456 = tpu.vector_load %arg11[%get3A_454, %get3A_455] {strides = array<i32>} : memref<32x512xf32, #tpu.memory_space<vmem>>, vector<1x16xf32>,
      %get3A_457 = vector.shape_cast %get3A_456 : vector<1x16xf32> to vector<16xf32>
      %get3A_458 = arith.constant 27 : i32
      %get3A_459 = arith.index_cast %get3A_458 : i32 to index
      %get3A_460 = arith.index_cast %mul3A_122 : i32 to index
      %get3A_461 = tpu.vector_load %arg12[%get3A_459, %get3A_460] {strides = array<i32>} : memref<32x512xf32, #tpu.memory_space<vmem>>, vector<1x16xf32>,
      %get3A_462 = vector.shape_cast %get3A_461 : vector<1x16xf32> to vector<16xf32>
      %mul3A_463 = arith.mulf %get3A_457, %get3A_462 : vector<16xf32>
      %add3A_464 = arith.addf %add3A_452, %mul3A_463 : vector<16xf32>
      %get3A_465 = arith.constant 28 : i32
      %get3A_466 = arith.index_cast %get3A_465 : i32 to index
      %get3A_467 = arith.index_cast %mul3A_122 : i32 to index
      %get3A_468 = tpu.vector_load %arg11[%get3A_466, %get3A_467] {strides = array<i32>} : memref<32x512xf32, #tpu.memory_space<vmem>>, vector<1x16xf32>,
      %get3A_469 = vector.shape_cast %get3A_468 : vector<1x16xf32> to vector<16xf32>
      %get3A_470 = arith.constant 28 : i32
      %get3A_471 = arith.index_cast %get3A_470 : i32 to index
      %get3A_472 = arith.index_cast %mul3A_122 : i32 to index
      %get3A_473 = tpu.vector_load %arg12[%get3A_471, %get3A_472] {strides = array<i32>} : memref<32x512xf32, #tpu.memory_space<vmem>>, vector<1x16xf32>,
      %get3A_474 = vector.shape_cast %get3A_473 : vector<1x16xf32> to vector<16xf32>
      %mul3A_475 = arith.mulf %get3A_469, %get3A_474 : vector<16xf32>
      %add3A_476 = arith.addf %add3A_464, %mul3A_475 : vector<16xf32>
      %get3A_477 = arith.constant 29 : i32
      %get3A_478 = arith.index_cast %get3A_477 : i32 to index
      %get3A_479 = arith.index_cast %mul3A_122 : i32 to index
      %get3A_480 = tpu.vector_load %arg11[%get3A_478, %get3A_479] {strides = array<i32>} : memref<32x512xf32, #tpu.memory_space<vmem>>, vector<1x16xf32>,
      %get3A_481 = vector.shape_cast %get3A_480 : vector<1x16xf32> to vector<16xf32>
      %get3A_482 = arith.constant 29 : i32
      %get3A_483 = arith.index_cast %get3A_482 : i32 to index
      %get3A_484 = arith.index_cast %mul3A_122 : i32 to index
      %get3A_485 = tpu.vector_load %arg12[%get3A_483, %get3A_484] {strides = array<i32>} : memref<32x512xf32, #tpu.memory_space<vmem>>, vector<1x16xf32>,
      %get3A_486 = vector.shape_cast %get3A_485 : vector<1x16xf32> to vector<16xf32>
      %mul3A_487 = arith.mulf %get3A_481, %get3A_486 : vector<16xf32>
      %add3A_488 = arith.addf %add3A_476, %mul3A_487 : vector<16xf32>
      %get3A_489 = arith.constant 30 : i32
      %get3A_490 = arith.index_cast %get3A_489 : i32 to index
      %get3A_491 = arith.index_cast %mul3A_122 : i32 to index
      %get3A_492 = tpu.vector_load %arg11[%get3A_490, %get3A_491] {strides = array<i32>} : memref<32x512xf32, #tpu.memory_space<vmem>>, vector<1x16xf32>,
      %get3A_493 = vector.shape_cast %get3A_492 : vector<1x16xf32> to vector<16xf32>
      %get3A_494 = arith.constant 30 : i32
      %get3A_495 = arith.index_cast %get3A_494 : i32 to index
      %get3A_496 = arith.index_cast %mul3A_122 : i32 to index
      %get3A_497 = tpu.vector_load %arg12[%get3A_495, %get3A_496] {strides = array<i32>} : memref<32x512xf32, #tpu.memory_space<vmem>>, vector<1x16xf32>,
      %get3A_498 = vector.shape_cast %get3A_497 : vector<1x16xf32> to vector<16xf32>
      %mul3A_499 = arith.mulf %get3A_493, %get3A_498 : vector<16xf32>
      %add3A_500 = arith.addf %add3A_488, %mul3A_499 : vector<16xf32>
      %get3A_501 = arith.constant 31 : i32
      %get3A_502 = arith.index_cast %get3A_501 : i32 to index
      %get3A_503 = arith.index_cast %mul3A_122 : i32 to index
      %get3A_504 = tpu.vector_load %arg11[%get3A_502, %get3A_503] {strides = array<i32>} : memref<32x512xf32, #tpu.memory_space<vmem>>, vector<1x16xf32>,
      %get3A_505 = vector.shape_cast %get3A_504 : vector<1x16xf32> to vector<16xf32>
      %get3A_506 = arith.constant 31 : i32
      %get3A_507 = arith.index_cast %get3A_506 : i32 to index
      %get3A_508 = arith.index_cast %mul3A_122 : i32 to index
      %get3A_509 = tpu.vector_load %arg12[%get3A_507, %get3A_508] {strides = array<i32>} : memref<32x512xf32, #tpu.memory_space<vmem>>, vector<1x16xf32>,
      %get3A_510 = vector.shape_cast %get3A_509 : vector<1x16xf32> to vector<16xf32>
      %mul3A_511 = arith.mulf %get3A_505, %get3A_510 : vector<16xf32>
      %add3A_512 = arith.addf %add3A_500, %mul3A_511 : vector<16xf32>
      %swap3A = arith.index_cast %mul3A_122 : i32 to index
      %swap3A_513 = tpu.vector_load %arg15[%swap3A] {strides = array<i32>} : memref<512xf32, #tpu.memory_space<vmem>>, vector<16xf32>,
      %swap3A_514 = vector.shape_cast %swap3A_513 : vector<16xf32> to vector<16xf32>
      %swap3A_515 = vector.shape_cast %add3A_512 : vector<16xf32> to vector<16xf32>
      tpu.vector_store %arg15[%swap3A], %swap3A_515 {strides = array<i32>} : memref<512xf32, #tpu.memory_space<vmem>>, vector<16xf32>,
    }
    %scan3A_117 = arith.constant 32 : i32
    %mul3A_118 = arith.constant 512 : i32
    %mul3A_119 = arith.muli %add3A, %mul3A_118 : i32
    "tpu.region"() ({
      %run_scoped3A = tpu.sem_alloc : memref<!tpu.dma_semaphore, #tpu.memory_space<semaphore_mem>>
      %dma_start3A_120 = tpu.memref_slice %arg8[%mul3A_119] : memref<16384xf32, #tpu.memory_space<hbm>> -> memref<512xf32, #tpu.memory_space<hbm>>
      %dma_start3A_121 = tpu.memref_slice %arg8[%mul3A_119] : memref<16384xf32, #tpu.memory_space<hbm>> -> memref<512xf32, #tpu.memory_space<hbm>>
      tpu.enqueue_dma source(%arg15 : memref<512xf32, #tpu.memory_space<vmem>>) target(%dma_start3A_121 : memref<512xf32, #tpu.memory_space<hbm>>) target_semaphore(%run_scoped3A : memref<!tpu.dma_semaphore, #tpu.memory_space<semaphore_mem>>)
      %dma_wait3A_122 = tpu.memref_slice %arg8[%mul3A_119] : memref<16384xf32, #tpu.memory_space<hbm>> -> memref<512xf32, #tpu.memory_space<hbm>>
      %dma_wait3A_123 = tpu.memref_slice %arg8[%mul3A_119] : memref<16384xf32, #tpu.memory_space<hbm>> -> memref<512xf32, #tpu.memory_space<hbm>>
      tpu.wait_dma2 semaphore(%run_scoped3A : memref<!tpu.dma_semaphore, #tpu.memory_space<semaphore_mem>>) src(%arg15 : memref<512xf32, #tpu.memory_space<vmem>>) dst(%dma_wait3A_123 : memref<512xf32, #tpu.memory_space<hbm>>)
      tpu.yield
    }) : () -> ()
    return
  }
}

module attributes {stable_mosaic.version = 14 : i64} {
  func.func @_detile_body(%arg0: i32, %arg1: memref<32x32768xf32, #tpu.memory_space<vmem>>, %arg2: memref<32x256x128xf32, #tpu.memory_space<vmem>>) attributes {dimension_semantics = [#tpu.dimension_semantics<arbitrary>], iteration_bounds = array<i64: 31>, scalar_prefetch = 0 : i64, scratch_operands = 0 : i64, tpu.core_type = #tpu.core_type<tc>, window_params = [{transform_indices = @transform_0, window_bounds = array<i64: 32, 32768>}, {transform_indices = @transform_1, window_bounds = array<i64: 32, 256, 128>}]} {
    %get3A = arith.constant 0 : index
    %get3A_0 = arith.constant 0 : index
    %get3A_1 = vector.load %arg1[%get3A, %get3A_0] : memref<32x32768xf32, #tpu.memory_space<vmem>>, vector<32x32768xf32>
    %reshape3A = vector.shape_cast %get3A_1 : vector<32x32768xf32> to vector<32x256x128xf32>
    %swap3A = arith.constant 0 : index
    %swap3A_2 = arith.constant 0 : index
    %swap3A_3 = arith.constant 0 : index
    %swap3A_4 = vector.load %arg2[%swap3A, %swap3A_2, %swap3A_3] : memref<32x256x128xf32, #tpu.memory_space<vmem>>, vector<32x256x128xf32>
    tpu.vector_store %arg2[%swap3A, %swap3A_2, %swap3A_3], %reshape3A {strides = array<i32>} : memref<32x256x128xf32, #tpu.memory_space<vmem>>, vector<32x256x128xf32>,
    return
  }
  func.func @transform_0(%arg0: i32) -> (i32, i32) {
    %c0_i32 = arith.constant 0 : i32
    %c0_i32_0 = arith.constant 0 : i32
    return %c0_i32, %arg0 : i32, i32
  }
  func.func @transform_1(%arg0: i32) -> (i32, i32, i32) {
    %c0_i32 = arith.constant 0 : i32
    %c0_i32_0 = arith.constant 0 : i32
    %c0_i32_1 = arith.constant 0 : i32
    return %c0_i32, %arg0, %c0_i32_0 : i32, i32, i32
  }
}

module attributes {stable_mosaic.version = 14 : i64} {
  func.func @_tc_tail_body(%arg0: memref<128x128xf32, #tpu.memory_space<vmem>>, %arg1: memref<128x128xf32, #tpu.memory_space<vmem>>, %arg2: memref<1x1xf32, #tpu.memory_space<smem>>) attributes {dimension_semantics = [], scalar_prefetch = 0 : i64, scratch_operands = 0 : i64, tpu.core_type = #tpu.core_type<tc>} {
    %get3A = arith.constant 0 : index
    %get3A_0 = arith.constant 0 : index
    %get3A_1 = vector.load %arg0[%get3A, %get3A_0] : memref<128x128xf32, #tpu.memory_space<vmem>>, vector<128x128xf32>
    %get3A_2 = arith.constant 0 : index
    %get3A_3 = arith.constant 0 : index
    %get3A_4 = vector.load %arg1[%get3A_2, %get3A_3] : memref<128x128xf32, #tpu.memory_space<vmem>>, vector<128x128xf32>
    %mul3A = arith.constant 9.99999997E-7 : f32
    %mul3A_5 = vector.broadcast %mul3A : f32 to vector<128x128xf32>
    %mul3A_6 = arith.mulf %get3A_4, %mul3A_5 : vector<128x128xf32>
    %pow3A = arith.constant 7.500000e-01 : f32
    %pow3A_7 = vector.broadcast %pow3A : f32 to vector<128x128xf32>
    %pow3A_8 = math.powf %mul3A_6, %pow3A_7 : vector<128x128xf32>
    %min3A = arith.constant 1.000000e+00 : f32
    %min3A_9 = vector.broadcast %min3A : f32 to vector<128x128xf32>
    %min3A_10 = arith.minimumf %min3A_9, %pow3A_8 : vector<128x128xf32>
    %add3A = arith.constant 1.000000e+00 : f32
    %add3A_11 = vector.broadcast %add3A : f32 to vector<128x128xf32>
    %add3A_12 = arith.addf %get3A_4, %add3A_11 : vector<128x128xf32>
    %log3A = math.log %add3A_12 : vector<128x128xf32>
    %sub3A = arith.subf %get3A_1, %log3A : vector<128x128xf32>
    %mul3A_13 = arith.mulf %min3A_10, %sub3A : vector<128x128xf32>
    %mul3A_14 = arith.mulf %mul3A_13, %sub3A : vector<128x128xf32>
    %reduce_sum3A = vector.shape_cast %mul3A_14 : vector<128x128xf32> to vector<1x128x128xf32>
    %reduce_sum3A_15 = arith.constant dense<0.000000e+00> : vector<1xf32>
    %reduce_sum3A_16 = vector.multi_reduction <add>, %reduce_sum3A, %reduce_sum3A_15 [1, 2] : vector<1x128x128xf32> to vector<1xf32>
    %reduce_sum3A_17 = vector.shape_cast %reduce_sum3A_16 : vector<1xf32> to vector<1x1x1xf32>
    %reduce_sum3A_18 = vector.extract %reduce_sum3A_17[0, 0, 0] : f32 from vector<1x1x1xf32>
    %swap3A = arith.constant 0 : index
    %swap3A_19 = arith.constant 0 : index
    %swap3A_20 = memref.load %arg2[%swap3A, %swap3A_19] : memref<1x1xf32, #tpu.memory_space<smem>>
    memref.store %reduce_sum3A_18, %arg2[%swap3A, %swap3A_19] : memref<1x1xf32, #tpu.memory_space<smem>>
    return
  }
}

</mosaic_0001>

<sc_bundles>
// kernel: kernel.6.cloned.1.call-start
scs
__scs_entry_jumppad:
0x0: {  	(pc) =	sbr.rel $0x88, $3  }
0x1: {  	(tag) =	ssettag $0x0;
	lr =	simm.s32 $0x1  }
0x2: {  	[smem:$0x3F9A] =	sst lr;
	_ =	strace $0xD0000000  }
0x3: {  	_ = 	snop  }
0x4: {  	_ = 	snop  }
0x5: {  	_ = 	snop  }
0x6: {  	_ = 	snop  }
0x7: {  	_ = 	snop  }
__scs_overlays_trampoline_lowered:
0x8: {  	[smem:$0x3FA9] =	sst s0  }
0x9: {  	[smem:$0x3FAA] =	sst s1  }
0xa: {  	[smem:$0x3FAB] =	sst s2  }
0xb: {  	[smem:$0x3FAC] =	sst s3  }
0xc: {  	[smem:$0x3FAD] =	sst s4  }
0xd: {  	[smem:$0x3FAE] =	sst s5  }
0xe: {  	[smem:$0x3FAF] =	sst s6  }
0xf: {  	[smem:$0x3FB0] =	sst s7  }
0x10: {  	[smem:$0x3FB1] =	sst s8  }
0x11: {  	[smem:$0x3FB2] =	sst s9;
	s0 =	simm.s32 @!p0 $0x0  }
0x12: {  	s1 =	sld [smem:$0x3F98];
	s0 =	simm.s32 @p0 $0x1  }
0x13: {  	[smem:$0x3FB3] =	sst s0;
	s0 =	simm.s32 @!p1 $0x0  }
0x14: {  	s2 =	sld [smem:$0x3F97];
	s0 =	simm.s32 @p1 $0x1  }
0x15: {  	[smem:$0x3FB4] =	sst s0;
	s0 =	simm.s32 @!p2 $0x0  }
0x16: {  	s3 =	sld [smem:$0x3FDB];
	s0 =	simm.s32 @p2 $0x1  }
0x17: {  	s4 =	simm.s32 $0x1BF5;
	[smem:$0x3FB6] =	sst s0  }
0x18: {  	s0 =	sld [smem:$0x3F99];
	_ =	swait.ge [sflag:s4], $0x0  }
0x19: {  	s7 =	sld [smem:$0x3F9A]  }
0x1a: {  	s8 =	sadd.s32 $0xFFFFE003, lr  }
0x1b: {  	s9 =	sadd.s32 $0xFFFFFEF7, lr;
	s5 =	simm.s32 $0xFFFFFFFF;
	p2 =	slt.u32 s8, $0xFFFFF086  }
0x1c: {  	p1 =	slt.u32 s9, $0xF7A;
	s5 =	simm.s32 @!p2 $0x0  }
0x1d: {  	s5 =	simm.s32 @p1 $0x1;
	p0 =	seq.s32 s7, s2  }
0x1e: {  	s7 =	smul.u32 @!p0 $0xF7A, s2;
	p2 =	seq.s32 @!p0 s5, $0x0  }
0x1f: {  	s9 =	smul.u32 $0xF7A, s1;
	s8 =	simm.s32 @!p0 $0x1BF5;
	p2 =	por !p2, p0  }
0x20: {  	[sflag:s8] =	ssyncset.s32 @!p0 $0xFFFFF086;
	s6 =	sadd.s32 @!p0 s3, s7;
	s7 =	simm.s32 @!p0 $0x108  }
0x21: {  	s3 =	sadd.s32 s3, s9;
	s6 =	sadd.s32 @!p0 $0x88, s6;
	s7 =	simm.s32 @p2 $0x1082  }
0x22: {  	[simem:s7], [sflag:s8] =	dma.local @!p0 [hbm:s6], $0xF7A  }
0x23: {  	s9 =	sor.u32 $0xD0000000, s2;
	s6 =	simm.s32 $0x108;
	_ =	swait.ge @!p0 [sflag:s8], $0x0  }
0x24: {  	s3 =	sadd.s32 $0x88, s3;
	s6 =	simm.s32 @!p1 $0x1082;
	[sflag:s4] =	ssyncset.s32 $0xFFFFF086  }
0x25: {  	[simem:s6], [sflag:s4] =	dma.local [hbm:s3], $0xF7A  }
0x26: {  	[smem:$0x3F9A] =	sst s1;
	(tag) =	ssettag s2;
	_ =	strace s9  }
0x27: {  	s1 =	sld [smem:$0x3FAA]  }
0x28: {  	s2 =	sld [smem:$0x3FAB]  }
0x29: {  	s4 =	sld [smem:$0x3FAD]  }
0x2a: {  	p0 =	seq.s32 s5, $0x0;
	s5 =	sld [smem:$0x3FAE]  }
0x2b: {  	s6 =	sld [smem:$0x3FAF]  }
0x2c: {  	s7 =	sld [smem:$0x3FB0]  }
0x2d: {  	s3 =	simm.s32 $0x108;
	s8 =	sld [smem:$0x3FB1]  }
0x2e: {  	s3 =	simm.s32 @!p0 $0x1082;
	s9 =	sld [smem:$0x3FB2]  }
0x2f: {  	lr =	sadd.s32 s0, s3;
	s0 =	sld [smem:$0x3FA9]  }
0x30: {  	s3 =	sld [smem:$0x3FAC]  }
0x31: {  	[smem:$0x3FB5] =	sst s10  }
0x32: {  	s10 =	sld [smem:$0x3FB3];
	_ =	sdelay $0x3  }
0x33: {  	p0 =	seq.s32 s10, $0x1;
	s10 =	sld [smem:$0x3FB5];
	_ =	sdelay $0x3  }
0x34: {  	[smem:$0x3FB5] =	sst s10  }
0x35: {  	s10 =	sld [smem:$0x3FB4];
	_ =	sdelay $0x3  }
0x36: {  	p1 =	seq.s32 s10, $0x1;
	s10 =	sld [smem:$0x3FB5];
	_ =	sdelay $0x3  }
0x37: {  	[smem:$0x3FB5] =	sst s10  }
0x38: {  	s10 =	sld [smem:$0x3FB6]  }
0x39: {  	_ = 	snop;
	(pc) =	sbr.ind lr, $3  }
0x3a: {  	_ = 	snop  }
0x3b: {  	_ = 	snop  }
0x3c: {  	p2 =	seq.s32 s10, $0x1;
	s10 =	sld [smem:$0x3FB5]  }
0x3d: {  	_ =	shalt  }
0x3e: {  	_ =	shalt  }
0x3f: {  	_ =	shalt  }
0x40: {  	_ =	shalt  }
0x41: {  	_ =	shalt  }
0x42: {  	_ =	shalt  }
0x43: {  	_ =	shalt  }
0x44: {  	_ =	shalt  }
0x45: {  	_ =	shalt  }
0x46: {  	_ =	shalt  }
0x47: {  	_ =	shalt  }
0x48: {  	_ =	shalt  }
0x49: {  	_ =	shalt  }
0x4a: {  	_ =	shalt  }
0x4b: {  	_ =	shalt  }
0x4c: {  	_ =	shalt  }
0x4d: {  	_ =	shalt  }
0x4e: {  	_ =	shalt  }
0x4f: {  	_ =	shalt  }
0x50: {  	_ =	shalt  }
0x51: {  	_ =	shalt  }
0x52: {  	_ =	shalt  }
0x53: {  	_ =	shalt  }
0x54: {  	_ =	shalt  }
0x55: {  	_ =	shalt  }
0x56: {  	_ =	shalt  }
0x57: {  	_ =	shalt  }
0x58: {  	_ =	shalt  }
0x59: {  	_ =	shalt  }
0x5a: {  	_ =	shalt  }
0x5b: {  	_ =	shalt  }
0x5c: {  	_ =	shalt  }
0x5d: {  	_ =	shalt  }
0x5e: {  	_ =	shalt  }
0x5f: {  	_ =	shalt  }
0x60: {  	_ =	shalt  }
0x61: {  	_ =	shalt  }
0x62: {  	_ =	shalt  }
0x63: {  	_ =	shalt  }
0x64: {  	_ =	shalt  }
0x65: {  	_ =	shalt  }
0x66: {  	_ =	shalt  }
0x67: {  	_ =	shalt  }
0x68: {  	_ =	shalt  }
0x69: {  	_ =	shalt  }
0x6a: {  	_ =	shalt  }
0x6b: {  	_ =	shalt  }
0x6c: {  	_ =	shalt  }
0x6d: {  	_ =	shalt  }
0x6e: {  	_ =	shalt  }
0x6f: {  	_ =	shalt  }
0x70: {  	_ =	shalt  }
0x71: {  	_ =	shalt  }
0x72: {  	_ =	shalt  }
0x73: {  	_ =	shalt  }
0x74: {  	_ =	shalt  }
0x75: {  	_ =	shalt  }
0x76: {  	_ =	shalt  }
0x77: {  	_ =	shalt  }
0x78: {  	_ =	shalt  }
0x79: {  	_ =	shalt  }
0x7a: {  	_ =	shalt  }
0x7b: {  	_ =	shalt  }
0x7c: {  	_ =	shalt  }
0x7d: {  	_ =	shalt  }
0x7e: {  	_ =	shalt  }
0x7f: {  	_ =	shalt  }
0x80: {  	_ =	shalt  }
0x81: {  	_ =	shalt  }
0x82: {  	_ =	shalt  }
0x83: {  	_ =	shalt  }
0x84: {  	_ =	shalt  }
0x85: {  	_ =	shalt  }
0x86: {  	_ =	shalt  }
0x87: {  	_ =	shalt  }
.Lfunc_end0:
.L_simem_size_0:
called_computation_lowered:
.L_overlay_start_0:
0x88: {  	s2 =	sld [smem:$0x3FD9]  }
0x89: {  	s3 =	sld [smem:$0x3FFE];
	_ =	sdelay $0x1  }
0x8a: {  	s1 =	srdreg.scid  }
0x8b: {  	s0 =	sand.u32 $0x1, s1  }
0x8c: {  	s17 =	sshll.u32 s0, $0xA;
	s2 =	sadd.s32 s3, s2  }
0x8d: {  	s2 =	sadd.s32 s2, s17  }
0x8e: {  	[smem:$0x3FC1] =	sst s2  }
0x8f: {  	_ = 	snop  }
0x90: {  	s2 =	sld [smem:$0x3FC9]  }
0x91: {  	s18 =	sld [smem:$0x3FC8]  }
0x92: {  	s4 =	sld [smem:$0x3FC4]  }
0x93: {  	s5 =	sld [smem:$0x3FC3];
	(tm) =	ssettm $0x1  }
0x94: {  	s6 =	sld [smem:$0x3FFB];
	_ =	sdelay $0x3  }
0x95: {  	_ =	strace s6  }
0x96: {  	s6 =	sld [smem:$0x3FFC];
	_ =	sdelay $0x3  }
0x97: {  	_ =	strace s6  }
0x98: {  	s6 =	sld [smem:$0x3FFD];
	_ =	sdelay $0x3  }
0x99: {  	_ =	strace s6  }
0x9a: {  	_ =	strace $0x8FFFFFFF  }
0x9b: {  	s19 =	sld [smem:$0x3FDB];
	_ =	sdelay $0x1  }
0x9c: {  	s7 =	simm.s32 $_scs_section_size  }
0x9d: {  	s8 =	simm.s32 $_size__tile_overlayer_lowered;
	s9 =	simm.s32 $_tile_overlayer_lowered  }
0x9e: {  	s22 =	simm.s32 $0x1BFF;
	s21 =	sshll.u32 s9, $0x1;
	s6 =	sadd.s32 s7, s19  }
0x9f: {  	s10 =	simm.s32 $0x0;
	s20 =	sshll.u32 s8, $0x1;
	s8 =	sadd.s32 s21, s6  }
0xa0: {  	[timem:s10], [sflag:s22] =	dma.local [hbm:s8], s20  }
0xa1: {  	_ =	swait.ge [sflag:s22], s20  }
0xa2: {  	s7 =	ssub.s32 $0x0, s20;
	[sflag:s22] =	ssyncset.done $0x0  }
0xa3: {  	[sflag:s22] =	ssyncadd.s32 s7;
	_ =	sdelay $0x1  }
0xa4: {  	s23 =	simm.s32 $0x1B8B  }
0xa5: {  	_ =	swait.ge [sflag:s23], $0x1  }
0xa6: {  	[sflag:s23] =	ssyncset.done $0x0  }
0xa7: {  	s25 =	simm.s32 $0x1B8E;
	s24 =	sld [smem:$0x3FFE];
	[sflag:s23] =	ssyncadd.s32 $0xFFFFFFFF  }
0xa8: {  	s26 =	simm.s32 $execute0_lowered;
	[smem:$0x3FD2] =	sst s25  }
0xa9: {  	s8 =	sshll.u32 s26, $0x1;
	_ =	strace $0x80000046;
	[dreg:$0x1] =	wrdreg $0xFFFFFFFF  }
0xaa: {  	s28 =	simm.s32 $_size_execute0_lowered;
	s6 =	sadd.s32 s6, s8;
	[dreg:$0x0] =	wrdreg $0x0  }
0xab: {  	s8 =	sshll.u32 s28, $0x1;
	[dreg:$0x2] =	wrdreg s6  }
0xac: {  	[dreg:$0x3] =	wrdreg s8  }
0xad: {  	[dreg:$0x4] =	wrdreg $0xC0  }
0xae: {  	_ =	task [dreg:s10], $0x5FFFF  }
0xaf: {  	[dreg:$0x1] =	wrdreg $0xFFFFFFFF  }
0xb0: {  	[dreg:$0x0] =	wrdreg $0x60  }
0xb1: {  	[dreg:$0x2] =	wrdreg s2  }
0xb2: {  	[dreg:$0x3] =	wrdreg s18  }
0xb3: {  	[dreg:$0x4] =	wrdreg s24  }
0xb4: {  	[dreg:$0x5] =	wrdreg s4  }
0xb5: {  	[dreg:$0x6] =	wrdreg s5  }
0xb6: {  	[dreg:$0x7] =	wrdreg $0x9  }
0xb7: {  	_ =	task.clear_ibuf [dreg:s10], $0x8FFFF;
	_ =	strace $0x90000046  }
0xb8: {  	s29 =	simm.s32 $0x9;
	_ =	strace $0x80000048  }
0xb9: {  	_ =	swait.ge [sflag:s29], $0x1  }
0xba: {  	[sflag:s29] =	ssyncadd.s32 $0xFFFFFFFF  }
0xbb: {  	_ =	strace $0x90000048  }
0xbc: {  	_ =	sfence  }
0xbd: {  	s30 =	sld [smem:$0x0];
	_ =	sdelay $0x2  }
0xbe: {  	s31 =	sshll.u32 s1, $0xD;
	s1 =	sshrl.u32 s1, $0x2  }
0xbf: {  	s3 =	sand.u32 $0x4000, s31;
	s1 =	sadd.s32 s1, s30  }
0xc0: {  	s0 =	sor.u32 s3, s0;
	s1 =	sshll.u32 s1, $0x11  }
0xc1: {  	s0 =	sor.u32 s1, s0  }
0xc2: {  	s0 =	sadd.s32 $0x8F2B, s0  }
0xc3: {  	[sflag:s0] =	ssyncadd.remote.s32 $0x1  }
0xc4: {  	_ =	sfence.sel $0xFFFF  }
0xc5: {  	[dreg:$0x0] =	wrdreg $0xFFFFFFFF;
	(pc) =	sbr.abs _section_cstart, $3  }
0xc6: {  	[dreg:$0x1] =	wrdreg $0xFFFFFFFF  }
0xc7: {  	_ =	task.clear_ibuf [dreg:s10], $0x2FFFF;
	_ =	strace $0x9FFFFFFF  }
0xc8: {  	(tm) =	ssettm $0x7FFFFFFF  }
0xc9: {  	_ =	shalt  }
tec
execute0_lowered:
.L_overlay_start_1:
0x0: {  	(tag) =	ssettag $0x1  }
0x1: {  	s0 =	rddreg [dreg:$0x0]  }
0x2: {  	s3 =	rddreg [dreg:$0x1]  }
0x3: {  	s6 =	rddreg [dreg:$0x2]  }
0x4: {  	s1 =	rddreg [dreg:$0x3]  }
0x5: {  	s2 =	rddreg [dreg:$0x4]  }
0x6: {  	s4 =	simm.s32 $0x0;
	s5 =	srdreg.scid;
	s8 =	stileid.u32  }
0x7: {  	s11 =	simm.s32 $0x2;
	s12 =	simm.s32 $0x200;
	s13 =	simm.s32 $0x80  }
0x8: {  	s17 =	simm.s32 $0x280;
	s19 =	simm.s32 $0x100;
	s21 =	simm.s32 $0x300  }
0x9: {  	s22 =	simm.s32 $0x8700;
	s23 =	simm.s32 $0x180;
	s24 =	simm.s32 $0x8580  }
0xa: {  	s25 =	simm.s32 $0x380;
	s26 =	simm.s32 $0x8780;
	s28 =	simm.s32 $0x1  }
0xb: {  	s29 =	simm.s32 $0x8800;
	s30 =	simm.s32 $0x0;
	[smem:$0x7FF] =	sst s4  }
0xc: {  	s7 =	sand.u32 $0x1, s5;
	s8 =	sshll.u32 s8, $0x7;
	s5 =	sadd.s32 $0x800, s6  }
0xd: {  	s14 =	sadd.s32 $0x3E0800, s6;
	s9 =	sshll.u32 s7, $0x6;
	s7 =	ssub.s32 $0x2, s7  }
0xe: {  	_ =	strace $0x80000047;
	s8 =	sor.u32 s9, s8;
	s31 =	sshrl.u32 s7, $0x1  }
0xf: {  	s6 =	sadd.s32 s8, s6;
	s10 =	ssub.s32 s7, s31;
	s7 =	sadd.s32 s0, s8  }
0x10: {  	s8 =	sadd.s32 s3, s8;
	s9 =	sadd.s32 $0x7C0800, s6;
	s10 =	smax.u32 s10, $0x1  }
.LBB2_1:
0x11: {  	[tilespmem:s4], [sflag:$0x2] =	stream.linear.gather [hbm4b:s7+s4], $0x200, $0x38;
	[tilespmem:$0x8A00] =	vst v63  }
0x12: {  	_ =	swait.ge [sflag:s11], $0x200  }
0x13: {  	[sflag:s11] =	ssyncset.done $0x0  }
0x14: {  	[sflag:s11] =	ssyncadd.s32 $0xFFFFFE00  }
0x15: {  	[tilespmem:s12], [sflag:$0x2] =	stream.linear.gather [hbm4b:s8+s4], $0x200, $0x38;
	[tilespmem:$0x8A00] =	vst v63  }
0x16: {  	_ =	swait.ge [sflag:s11], $0x200  }
0x17: {  	[sflag:s11] =	ssyncset.done $0x0  }
0x18: {  	s0 =	simm.s32 $0x8400;
	[sflag:s11] =	ssyncadd.s32 $0xFFFFFE00  }
0x19: {  	[tilespmem:s0], [sflag:$0x1] =	stream.indirect.gather [hbm4b:s1+s13], $0x1, s4, s13, $0xb8;
	[tilespmem:$0x8A00] =	vst v63  }
0x1a: {  	s6 =	simm.s32 $0x8600  }
0x1b: {  	[tilespmem:s6], [sflag:$0x1] =	stream.indirect.gather [hbm4b:s2+s13], $0x1, s12, s13, $0xb8;
	[tilespmem:$0x8A00] =	vst v63  }
0x1c: {  	s15 =	simm.s32 $0x8480  }
0x1d: {  	[tilespmem:s15], [sflag:$0x1] =	stream.indirect.gather [hbm4b:s1+s13], $0x1, s13, s13, $0xb8;
	[tilespmem:$0x8A00] =	vst v63  }
0x1e: {  	s16 =	simm.s32 $0x8680  }
0x1f: {  	[tilespmem:s16], [sflag:$0x1] =	stream.indirect.gather [hbm4b:s2+s13], $0x1, s17, s13, $0xb8;
	[tilespmem:$0x8A00] =	vst v63  }
0x20: {  	s18 =	simm.s32 $0x8500  }
0x21: {  	[tilespmem:s18], [sflag:$0x1] =	stream.indirect.gather [hbm4b:s1+s13], $0x1, s19, s13, $0xb8;
	[tilespmem:$0x8A00] =	vst v63  }
0x22: {  	_ = 	snop  }
0x23: {  	[tilespmem:s22], [sflag:$0x1] =	stream.indirect.gather [hbm4b:s2+s13], $0x1, s21, s13, $0xb8;
	[tilespmem:$0x8A00] =	vst v63  }
0x24: {  	_ = 	snop  }
0x25: {  	[tilespmem:s24], [sflag:$0x1] =	stream.indirect.gather [hbm4b:s1+s13], $0x1, s23, s13, $0xb8;
	[tilespmem:$0x8A00] =	vst v63  }
0x26: {  	_ = 	snop  }
0x27: {  	[tilespmem:s26], [sflag:$0x1] =	stream.indirect.gather [hbm4b:s2+s13], $0x1, s25, s13, $0xb8;
	[tilespmem:$0x8A00] =	vst v63  }
0x28: {  	s20 =	simm.s32 $0x400  }
0x29: {  	[tilespmem:s20], [sflag:$0x1] =	stream.indirect.gather [hbm4b:s5+s13], $0x1, s4, s13, $0xb8;
	[tilespmem:$0x8A00] =	vst v63  }
0x2a: {  	s3 =	simm.s32 $0x4400  }
0x2b: {  	[tilespmem:s3], [sflag:$0x1] =	stream.indirect.gather [hbm4b:s14+s13], $0x1, s12, s13, $0xb8;
	[tilespmem:$0x8A00] =	vst v63  }
0x2c: {  	s6 =	simm.s32 $0x480  }
0x2d: {  	[tilespmem:s6], [sflag:$0x1] =	stream.indirect.gather [hbm4b:s5+s13], $0x1, s13, s13, $0xb8;
	[tilespmem:$0x8A00] =	vst v63  }
0x2e: {  	s15 =	simm.s32 $0x4480  }
0x2f: {  	[tilespmem:s15], [sflag:$0x1] =	stream.indirect.gather [hbm4b:s14+s13], $0x1, s17, s13, $0xb8;
	[tilespmem:$0x8A00] =	vst v63  }
0x30: {  	s31 =	sadd.s32 $0x1F000, s5;
	s0 =	sadd.s32 $0x1F000, s14;
	s16 =	simm.s32 $0x500  }
0x31: {  	[tilespmem:s16], [sflag:$0x1] =	stream.indirect.gather [hbm4b:s5+s13], $0x1, s19, s13, $0xb8;
	[tilespmem:$0x8A00] =	vst v63  }
0x32: {  	s18 =	simm.s32 $0x4500;
	s20 =	simm.s32 $0x580;
	s3 =	simm.s32 $0x200  }
0x33: {  	[tilespmem:s18], [sflag:$0x1] =	stream.indirect.gather [hbm4b:s14+s13], $0x1, s21, s13, $0xb8;
	[tilespmem:$0x8A00] =	vst v63  }
0x34: {  	s6 =	smov.u32 s14;
	s15 =	simm.s32 $0x1000;
	s16 =	simm.s32 $0x4580  }
0x35: {  	[tilespmem:s20], [sflag:$0x1] =	stream.indirect.gather [hbm4b:s5+s13], $0x1, s23, s13, $0xb8;
	[tilespmem:$0x8A00] =	vst v63  }
.LBB2_2:
0x36: {  	[tilespmem:s16], [sflag:$0x1] =	stream.indirect.gather [hbm4b:s6+s13], $0x1, s25, s13, $0xb8;
	[tilespmem:$0x8A00] =	vst v63  }
0x37: {  	s16 =	smov.u32 s3;
	s3 =	smov.u32 s15;
	s6 =	smov.u32 s0  }
0x38: {  	s18 =	sadd.s32 $0x800, s15;
	s3 =	sshra.s32 s3, $0x2;
	s20 =	sadd.s32 $0x400, s16  }
0x39: {  	[tilespmem:s20], [sflag:$0x1] =	stream.indirect.gather [hbm4b:s31+s13], $0x1, s4, s13, $0xb8;
	[tilespmem:$0x8A00] =	vst v63  }
0x3a: {  	p0 =	sne.s32 s15, $0xF800;
	s15 =	sadd.s32 $0x4400, s16  }
0x3b: {  	[tilespmem:s15], [sflag:$0x1] =	stream.indirect.gather [hbm4b:s0+s13], $0x1, s12, s13, $0xb8;
	[tilespmem:$0x8A00] =	vst v63  }
0x3c: {  	s15 =	sadd.s32 $0x480, s16  }
0x3d: {  	[tilespmem:s15], [sflag:$0x1] =	stream.indirect.gather [hbm4b:s31+s13], $0x1, s13, s13, $0xb8;
	[tilespmem:$0x8A00] =	vst v63  }
0x3e: {  	s15 =	sadd.s32 $0x4480, s16  }
0x3f: {  	[tilespmem:s15], [sflag:$0x1] =	stream.indirect.gather [hbm4b:s0+s13], $0x1, s17, s13, $0xb8;
	[tilespmem:$0x8A00] =	vst v63  }
0x40: {  	s15 =	sadd.s32 $0x500, s16  }
0x41: {  	[tilespmem:s15], [sflag:$0x1] =	stream.indirect.gather [hbm4b:s31+s13], $0x1, s19, s13, $0xb8;
	[tilespmem:$0x8A00] =	vst v63  }
.Ltmp0:
0x42: {  	s15 =	sadd.s32 $0x4500, s16;
	(pc) =	sbr.rel @p0 .LBB2_2-.Ltmp0, $4  }
0x43: {  	[tilespmem:s15], [sflag:$0x1] =	stream.indirect.gather [hbm4b:s0+s13], $0x1, s21, s13, $0xb8;
	[tilespmem:$0x8A00] =	vst v63  }
0x44: {  	s15 =	sadd.s32 $0x580, s16;
	s16 =	sadd.s32 $0x4580, s16  }
0x45: {  	[tilespmem:s15], [sflag:$0x1] =	stream.indirect.gather [hbm4b:s31+s13], $0x1, s23, s13, $0xb8;
	[tilespmem:$0x8A00] =	vst v63  }
0x46: {  	s0 =	sadd.s32 $0x1F000, s0;
	s31 =	sadd.s32 $0x1F000, s31;
	s15 =	smov.u32 s18  }
0x47: {  	[tilespmem:s16], [sflag:$0x1] =	stream.indirect.gather [hbm4b:s6+s13], $0x1, s25, s13, $0xb8;
	[tilespmem:$0x8A00] =	vst v63  }
0x48: {  	s15 =	sadd.s32 $0x400, s3  }
0x49: {  	[tilespmem:s15], [sflag:$0x1] =	stream.indirect.gather [hbm4b:s31+s13], $0x1, s4, s13, $0xb8;
	[tilespmem:$0x8A00] =	vst v63  }
0x4a: {  	s16 =	sadd.s32 $0x4400, s3  }
0x4b: {  	[tilespmem:s16], [sflag:$0x1] =	stream.indirect.gather [hbm4b:s0+s13], $0x1, s12, s13, $0xb8;
	[tilespmem:$0x8A00] =	vst v63  }
0x4c: {  	s18 =	sadd.s32 $0x480, s3  }
0x4d: {  	[tilespmem:s18], [sflag:$0x1] =	stream.indirect.gather [hbm4b:s31+s13], $0x1, s13, s13, $0xb8;
	[tilespmem:$0x8A00] =	vst v63  }
0x4e: {  	s20 =	sadd.s32 $0x4480, s3  }
0x4f: {  	[tilespmem:s20], [sflag:$0x1] =	stream.indirect.gather [hbm4b:s0+s13], $0x1, s17, s13, $0xb8;
	[tilespmem:$0x8A00] =	vst v63  }
0x50: {  	s15 =	sadd.s32 $0x500, s3  }
0x51: {  	[tilespmem:s15], [sflag:$0x1] =	stream.indirect.gather [hbm4b:s31+s13], $0x1, s19, s13, $0xb8;
	[tilespmem:$0x8A00] =	vst v63  }
0x52: {  	s16 =	sadd.s32 $0x4500, s3  }
0x53: {  	[tilespmem:s16], [sflag:$0x1] =	stream.indirect.gather [hbm4b:s0+s13], $0x1, s21, s13, $0xb8;
	[tilespmem:$0x8A00] =	vst v63  }
0x54: {  	s18 =	sadd.s32 $0x580, s3  }
0x55: {  	[tilespmem:s18], [sflag:$0x1] =	stream.indirect.gather [hbm4b:s31+s13], $0x1, s23, s13, $0xb8;
	[tilespmem:$0x8A00] =	vst v63  }
0x56: {  	s20 =	sadd.s32 $0x4580, s3  }
0x57: {  	[tilespmem:s20], [sflag:$0x1] =	stream.indirect.gather [hbm4b:s0+s13], $0x1, s25, s13, $0xb8;
	[tilespmem:$0x8A00] =	vst v63  }
0x58: {  	_ =	swait.ge [sflag:s28], $0x4000  }
0x59: {  	[sflag:s28] =	ssyncset.done $0x0  }
0x5a: {  	[sflag:s28] =	ssyncadd.s32 $0xFFFFC000  }
0x5b: {  	_ =	swait.ge [sflag:s28], $0x4000  }
0x5c: {  	[sflag:s28] =	ssyncset.done $0x0  }
0x5d: {  	[sflag:s28] =	ssyncadd.s32 $0xFFFFC000  }
0x5e: {  	_ =	swait.ge [sflag:s28], $0x80  }
0x5f: {  	[sflag:s28] =	ssyncset.done $0x0  }
0x60: {  	[sflag:s28] =	ssyncadd.s32 $0xFFFFFF80  }
0x61: {  	_ =	swait.ge [sflag:s28], $0x80  }
0x62: {  	[sflag:s28] =	ssyncset.done $0x0  }
0x63: {  	[sflag:s28] =	ssyncadd.s32 $0xFFFFFF80  }
0x64: {  	_ =	swait.ge [sflag:s28], $0x80  }
0x65: {  	[sflag:s28] =	ssyncset.done $0x0  }
0x66: {  	[sflag:s28] =	ssyncadd.s32 $0xFFFFFF80  }
0x67: {  	_ =	swait.ge [sflag:s28], $0x80  }
0x68: {  	[sflag:s28] =	ssyncset.done $0x0  }
0x69: {  	[sflag:s28] =	ssyncadd.s32 $0xFFFFFF80  }
0x6a: {  	_ =	swait.ge [sflag:s28], $0x80  }
0x6b: {  	[sflag:s28] =	ssyncset.done $0x0  }
0x6c: {  	[sflag:s28] =	ssyncadd.s32 $0xFFFFFF80  }
0x6d: {  	_ =	swait.ge [sflag:s28], $0x80  }
0x6e: {  	[sflag:s28] =	ssyncset.done $0x0  }
0x6f: {  	[sflag:s28] =	ssyncadd.s32 $0xFFFFFF80  }
0x70: {  	_ =	swait.ge [sflag:s28], $0x80  }
0x71: {  	[sflag:s28] =	ssyncset.done $0x0  }
0x72: {  	[sflag:s28] =	ssyncadd.s32 $0xFFFFFF80  }
0x73: {  	_ =	swait.ge [sflag:s28], $0x80  }
0x74: {  	[sflag:s28] =	ssyncset.done $0x0  }
0x75: {  	s31 =	simm.s32 $0x0;
	[sflag:s28] =	ssyncadd.s32 $0xFFFFFF80  }
0x76: {  	v0 =	vld [tilespmem:s31+$0x8400]  }
0x77: {  	v1 =	vld [tilespmem:s31+$0x8600]  }
0x78: {  	v2 =	vld [tilespmem:s31+$0x400]  }
0x79: {  	v3 =	vld [tilespmem:s31+$0x4400]  }
0x7a: {  	v4 =	vld [tilespmem:s31+$0x600]  }
0x7b: {  	v5 =	vld [tilespmem:s31+$0x4600]  }
0x7c: {  	v6 =	vld [tilespmem:s31+$0x800]  }
0x7d: {  	v7 =	vld [tilespmem:s31+$0x4800]  }
0x7e: {  	v0 =	vadd.f32 v1, v0;
	v1 =	vmul.f32 v3, v2;
	v2 =	vld [tilespmem:s31+$0xA00]  }
0x7f: {  	v3 =	vld [tilespmem:s31+$0x4A00]  }
0x80: {  	v0 =	vadd.f32 v1, v0;
	v1 =	vmul.f32 v5, v4;
	v4 =	vld [tilespmem:s31+$0xC00]  }
0x81: {  	v5 =	vld [tilespmem:s31+$0x4C00]  }
0x82: {  	v0 =	vadd.f32 v1, v0;
	v1 =	vmul.f32 v7, v6;
	v6 =	vld [tilespmem:s31+$0xE00]  }
0x83: {  	v7 =	vld [tilespmem:s31+$0x4E00]  }
0x84: {  	v0 =	vadd.f32 v1, v0;
	v1 =	vmul.f32 v3, v2;
	v2 =	vld [tilespmem:s31+$0x1000]  }
0x85: {  	v3 =	vld [tilespmem:s31+$0x5000]  }
0x86: {  	v0 =	vadd.f32 v1, v0;
	v1 =	vmul.f32 v5, v4;
	v4 =	vld [tilespmem:s31+$0x1200]  }
0x87: {  	v5 =	vld [tilespmem:s31+$0x5200]  }
0x88: {  	v0 =	vadd.f32 v1, v0;
	v1 =	vmul.f32 v7, v6;
	v6 =	vld [tilespmem:s31+$0x1400]  }
0x89: {  	v7 =	vld [tilespmem:s31+$0x5400]  }
0x8a: {  	v0 =	vadd.f32 v1, v0;
	v1 =	vmul.f32 v3, v2;
	v2 =	vld [tilespmem:s31+$0x1600]  }
0x8b: {  	v3 =	vld [tilespmem:s31+$0x5600]  }
0x8c: {  	v0 =	vadd.f32 v1, v0;
	v1 =	vmul.f32 v5, v4;
	v4 =	vld [tilespmem:s31+$0x1800]  }
0x8d: {  	v5 =	vld [tilespmem:s31+$0x5800]  }
0x8e: {  	v0 =	vadd.f32 v1, v0;
	v1 =	vmul.f32 v7, v6;
	v6 =	vld [tilespmem:s31+$0x1A00]  }
0x8f: {  	v7 =	vld [tilespmem:s31+$0x5A00]  }
0x90: {  	v0 =	vadd.f32 v1, v0;
	v1 =	vmul.f32 v3, v2;
	v2 =	vld [tilespmem:s31+$0x1C00]  }
0x91: {  	v3 =	vld [tilespmem:s31+$0x5C00]  }
0x92: {  	v0 =	vadd.f32 v1, v0;
	v1 =	vmul.f32 v5, v4;
	v4 =	vld [tilespmem:s31+$0x1E00]  }
0x93: {  	v5 =	vld [tilespmem:s31+$0x5E00]  }
0x94: {  	v0 =	vadd.f32 v1, v0;
	v1 =	vmul.f32 v7, v6;
	v6 =	vld [tilespmem:s31+$0x2000]  }
0x95: {  	v7 =	vld [tilespmem:s31+$0x6000]  }
0x96: {  	v0 =	vadd.f32 v1, v0;
	v1 =	vmul.f32 v3, v2;
	v2 =	vld [tilespmem:s31+$0x2200]  }
0x97: {  	v3 =	vld [tilespmem:s31+$0x6200]  }
0x98: {  	v0 =	vadd.f32 v1, v0;
	v1 =	vmul.f32 v5, v4;
	v4 =	vld [tilespmem:s31+$0x2400]  }
0x99: {  	v5 =	vld [tilespmem:s31+$0x6400]  }
0x9a: {  	v0 =	vadd.f32 v1, v0;
	v1 =	vmul.f32 v7, v6;
	v6 =	vld [tilespmem:s31+$0x2600]  }
0x9b: {  	v7 =	vld [tilespmem:s31+$0x6600]  }
0x9c: {  	v0 =	vadd.f32 v1, v0;
	v1 =	vmul.f32 v3, v2;
	v2 =	vld [tilespmem:s31+$0x2800]  }
0x9d: {  	v3 =	vld [tilespmem:s31+$0x6800]  }
0x9e: {  	v0 =	vadd.f32 v1, v0;
	v1 =	vmul.f32 v5, v4;
	v4 =	vld [tilespmem:s31+$0x2A00]  }
0x9f: {  	v5 =	vld [tilespmem:s31+$0x6A00]  }
0xa0: {  	v0 =	vadd.f32 v1, v0;
	v1 =	vmul.f32 v7, v6;
	v6 =	vld [tilespmem:s31+$0x2C00]  }
0xa1: {  	v7 =	vld [tilespmem:s31+$0x6C00]  }
0xa2: {  	v0 =	vadd.f32 v1, v0;
	v1 =	vmul.f32 v3, v2;
	v2 =	vld [tilespmem:s31+$0x2E00]  }
0xa3: {  	v3 =	vld [tilespmem:s31+$0x6E00]  }
0xa4: {  	v0 =	vadd.f32 v1, v0;
	v1 =	vmul.f32 v5, v4;
	v4 =	vld [tilespmem:s31+$0x3000]  }
0xa5: {  	v5 =	vld [tilespmem:s31+$0x7000]  }
0xa6: {  	v0 =	vadd.f32 v1, v0;
	v1 =	vmul.f32 v7, v6;
	v6 =	vld [tilespmem:s31+$0x3200]  }
0xa7: {  	v7 =	vld [tilespmem:s31+$0x7200]  }
0xa8: {  	v0 =	vadd.f32 v1, v0;
	v1 =	vmul.f32 v3, v2;
	v2 =	vld [tilespmem:s31+$0x3400]  }
0xa9: {  	v3 =	vld [tilespmem:s31+$0x7400]  }
0xaa: {  	v0 =	vadd.f32 v1, v0;
	v1 =	vmul.f32 v5, v4;
	v4 =	vld [tilespmem:s31+$0x3600]  }
0xab: {  	v5 =	vld [tilespmem:s31+$0x7600]  }
0xac: {  	v0 =	vadd.f32 v1, v0;
	v1 =	vmul.f32 v7, v6;
	v6 =	vld [tilespmem:s31+$0x3800]  }
0xad: {  	v7 =	vld [tilespmem:s31+$0x7800]  }
0xae: {  	v0 =	vadd.f32 v1, v0;
	v1 =	vmul.f32 v3, v2;
	v2 =	vld [tilespmem:s31+$0x3A00]  }
0xaf: {  	v3 =	vld [tilespmem:s31+$0x7A00]  }
0xb0: {  	v0 =	vadd.f32 v1, v0;
	v1 =	vmul.f32 v5, v4;
	v4 =	vld [tilespmem:s31+$0x3C00]  }
0xb1: {  	v5 =	vld [tilespmem:s31+$0x7C00]  }
0xb2: {  	v0 =	vadd.f32 v1, v0;
	v1 =	vmul.f32 v7, v6;
	v6 =	vld [tilespmem:s31+$0x3E00]  }
0xb3: {  	v7 =	vld [tilespmem:s31+$0x7E00]  }
0xb4: {  	v8 =	vld [tilespmem:s31+$0x4000];
	v0 =	vadd.f32 v1, v0;
	v1 =	vmul.f32 v3, v2  }
0xb5: {  	v9 =	vld [tilespmem:s31+$0x8000]  }
0xb6: {  	v3 =	vmul.f32 v5, v4;
	v4 =	vld [tilespmem:s31+$0x8200];
	v2 =	vadd.f32 v1, v0  }
0xb7: {  	s3 =	simm.s32 $0x10;
	v1 =	vld [tilespmem:s31+$0x4200]  }
0xb8: {  	v0 =	vld [tilespmem:s3+$0x8400];
	v6 =	vmul.f32 v7, v6;
	v5 =	vadd.f32 v3, v2  }
0xb9: {  	v2 =	vld [tilespmem:s3+$0x8600]  }
0xba: {  	s0 =	simm.s32 $0x80;
	v3 =	vld [tilespmem:s3+$0x400];
	v5 =	vadd.f32 v6, v5;
	v6 =	vmul.f32 v9, v8  }
.LBB2_4:
0xbb: {  	p0 =	sne.s32 s0, $0x7C0;
	v7 =	vld [tilespmem:s3+$0x4400]  }
0xbc: {  	v8 =	vld [tilespmem:s3+$0x600];
	v5 =	vadd.f32 v6, v5;
	v1 =	vmul.f32 v4, v1  }
0xbd: {  	v4 =	vld [tilespmem:s3+$0x4600]  }
0xbe: {  	v6 =	vld [tilespmem:s3+$0x800];
	v1 =	vadd.f32 v1, v5  }
0xbf: {  	v5 =	vld [tilespmem:s3+$0x4800]  }
0xc0: {  	v0 =	vadd.f32 v2, v0;
	v2 =	vmul.f32 v7, v3;
	v3 =	vld [tilespmem:s3+$0xA00];
	[tilespmem:s31+$0x8800] =	vst v1;
	s31 =	smov.u32 s3  }
0xc1: {  	v1 =	vld [tilespmem:s31+$0x4A00]  }
0xc2: {  	v0 =	vadd.f32 v2, v0;
	v2 =	vmul.f32 v4, v8;
	v4 =	vld [tilespmem:s31+$0xC00]  }
0xc3: {  	v7 =	vld [tilespmem:s31+$0x4C00]  }
0xc4: {  	v0 =	vadd.f32 v2, v0;
	v2 =	vmul.f32 v5, v6;
	v5 =	vld [tilespmem:s31+$0xE00]  }
0xc5: {  	v6 =	vld [tilespmem:s31+$0x4E00]  }
0xc6: {  	v0 =	vadd.f32 v2, v0;
	v1 =	vmul.f32 v1, v3;
	v2 =	vld [tilespmem:s31+$0x1000]  }
0xc7: {  	v3 =	vld [tilespmem:s31+$0x5000]  }
0xc8: {  	v0 =	vadd.f32 v1, v0;
	v1 =	vmul.f32 v7, v4;
	v4 =	vld [tilespmem:s31+$0x1200]  }
0xc9: {  	v7 =	vld [tilespmem:s31+$0x5200]  }
0xca: {  	v0 =	vadd.f32 v1, v0;
	v1 =	vmul.f32 v6, v5;
	v5 =	vld [tilespmem:s31+$0x1400]  }
0xcb: {  	v6 =	vld [tilespmem:s31+$0x5400]  }
0xcc: {  	v0 =	vadd.f32 v1, v0;
	v1 =	vmul.f32 v3, v2;
	v2 =	vld [tilespmem:s31+$0x1600]  }
0xcd: {  	v3 =	vld [tilespmem:s31+$0x5600]  }
0xce: {  	v0 =	vadd.f32 v1, v0;
	v1 =	vmul.f32 v7, v4;
	v4 =	vld [tilespmem:s31+$0x1800]  }
0xcf: {  	v7 =	vld [tilespmem:s31+$0x5800]  }
0xd0: {  	v0 =	vadd.f32 v1, v0;
	v1 =	vmul.f32 v6, v5;
	v5 =	vld [tilespmem:s31+$0x1A00]  }
0xd1: {  	v6 =	vld [tilespmem:s31+$0x5A00]  }
0xd2: {  	v0 =	vadd.f32 v1, v0;
	v1 =	vmul.f32 v3, v2;
	v2 =	vld [tilespmem:s31+$0x1C00]  }
0xd3: {  	v3 =	vld [tilespmem:s31+$0x5C00]  }
0xd4: {  	v0 =	vadd.f32 v1, v0;
	v1 =	vmul.f32 v7, v4;
	v4 =	vld [tilespmem:s31+$0x1E00]  }
0xd5: {  	v7 =	vld [tilespmem:s31+$0x5E00]  }
0xd6: {  	v0 =	vadd.f32 v1, v0;
	v1 =	vmul.f32 v6, v5;
	v5 =	vld [tilespmem:s31+$0x2000]  }
0xd7: {  	v6 =	vld [tilespmem:s31+$0x6000]  }
0xd8: {  	v0 =	vadd.f32 v1, v0;
	v1 =	vmul.f32 v3, v2;
	v2 =	vld [tilespmem:s31+$0x2200]  }
0xd9: {  	v3 =	vld [tilespmem:s31+$0x6200]  }
0xda: {  	v0 =	vadd.f32 v1, v0;
	v1 =	vmul.f32 v7, v4;
	v4 =	vld [tilespmem:s31+$0x2400]  }
0xdb: {  	v7 =	vld [tilespmem:s31+$0x6400]  }
0xdc: {  	v0 =	vadd.f32 v1, v0;
	v1 =	vmul.f32 v6, v5;
	v5 =	vld [tilespmem:s31+$0x2600]  }
0xdd: {  	v6 =	vld [tilespmem:s31+$0x6600]  }
0xde: {  	v0 =	vadd.f32 v1, v0;
	v1 =	vmul.f32 v3, v2;
	v2 =	vld [tilespmem:s31+$0x2800]  }
0xdf: {  	v3 =	vld [tilespmem:s31+$0x6800]  }
0xe0: {  	v0 =	vadd.f32 v1, v0;
	v1 =	vmul.f32 v7, v4;
	v4 =	vld [tilespmem:s31+$0x2A00]  }
0xe1: {  	v7 =	vld [tilespmem:s31+$0x6A00]  }
0xe2: {  	v0 =	vadd.f32 v1, v0;
	v1 =	vmul.f32 v6, v5;
	v5 =	vld [tilespmem:s31+$0x2C00]  }
0xe3: {  	v6 =	vld [tilespmem:s31+$0x6C00]  }
0xe4: {  	v0 =	vadd.f32 v1, v0;
	v1 =	vmul.f32 v3, v2;
	v2 =	vld [tilespmem:s31+$0x2E00]  }
0xe5: {  	v3 =	vld [tilespmem:s31+$0x6E00]  }
0xe6: {  	v0 =	vadd.f32 v1, v0;
	v1 =	vmul.f32 v7, v4;
	v4 =	vld [tilespmem:s31+$0x3000]  }
0xe7: {  	v7 =	vld [tilespmem:s31+$0x7000]  }
0xe8: {  	v0 =	vadd.f32 v1, v0;
	v1 =	vmul.f32 v6, v5;
	v5 =	vld [tilespmem:s31+$0x3200]  }
0xe9: {  	v6 =	vld [tilespmem:s31+$0x7200]  }
0xea: {  	v0 =	vadd.f32 v1, v0;
	v1 =	vmul.f32 v3, v2;
	v2 =	vld [tilespmem:s31+$0x3400]  }
0xeb: {  	v3 =	vld [tilespmem:s31+$0x7400]  }
0xec: {  	v0 =	vadd.f32 v1, v0;
	v1 =	vmul.f32 v7, v4;
	v4 =	vld [tilespmem:s31+$0x3600]  }
0xed: {  	v7 =	vld [tilespmem:s31+$0x7600]  }
0xee: {  	v0 =	vadd.f32 v1, v0;
	v1 =	vmul.f32 v6, v5;
	v5 =	vld [tilespmem:s31+$0x3800]  }
0xef: {  	v6 =	vld [tilespmem:s31+$0x7800]  }
0xf0: {  	v0 =	vadd.f32 v1, v0;
	v1 =	vmul.f32 v3, v2;
	v2 =	vld [tilespmem:s31+$0x3A00]  }
0xf1: {  	v3 =	vld [tilespmem:s31+$0x7A00]  }
0xf2: {  	v0 =	vadd.f32 v1, v0;
	v1 =	vmul.f32 v7, v4;
	v4 =	vld [tilespmem:s31+$0x3C00]  }
0xf3: {  	v7 =	vld [tilespmem:s31+$0x7C00]  }
0xf4: {  	v0 =	vadd.f32 v1, v0;
	v1 =	vmul.f32 v6, v5;
	v5 =	vld [tilespmem:s31+$0x3E00]  }
0xf5: {  	v6 =	vld [tilespmem:s31+$0x7E00]  }
0xf6: {  	v0 =	vadd.f32 v1, v0;
	v1 =	vmul.f32 v3, v2;
	v8 =	vld [tilespmem:s31+$0x4000]  }
0xf7: {  	v9 =	vld [tilespmem:s31+$0x8000]  }
.Ltmp1:
0xf8: {  	v2 =	vadd.f32 v1, v0;
	v3 =	vmul.f32 v7, v4;
	v1 =	vld [tilespmem:s31+$0x4200];
	(pc) =	sbr.rel @p0 .LBB2_4-.Ltmp1, $4  }
0xf9: {  	s3 =	sshra.s32 s0, $0x2;
	v4 =	vld [tilespmem:s31+$0x8200]  }
0xfa: {  	v0 =	vld [tilespmem:s3+$0x8400];
	v7 =	vadd.f32 v3, v2;
	v5 =	vmul.f32 v6, v5  }
0xfb: {  	v2 =	vld [tilespmem:s3+$0x8600]  }
0xfc: {  	s0 =	sadd.s32 $0x40, s0;
	v3 =	vld [tilespmem:s3+$0x400];
	v5 =	vadd.f32 v5, v7;
	v6 =	vmul.f32 v9, v8  }
0xfd: {  	v7 =	vld [tilespmem:s3+$0x4400]  }
0xfe: {  	v8 =	vld [tilespmem:s3+$0x600];
	v5 =	vadd.f32 v6, v5;
	v1 =	vmul.f32 v4, v1  }
0xff: {  	v29 =	vld [tilespmem:s3+$0x4600]  }
0x100: {  	v30 =	vld [tilespmem:s3+$0x800];
	v1 =	vadd.f32 v1, v5  }
0x101: {  	v31 =	vld [tilespmem:s3+$0x4800]  }
0x102: {  	v9 =	vld [tilespmem:s3+$0xA00];
	v0 =	vadd.f32 v2, v0;
	v32 =	vmul.f32 v7, v3;
	[tilespmem:s31+$0x8800] =	vst v1  }
0x103: {  	v1 =	vld [tilespmem:s3+$0x4A00]  }
0x104: {  	v33 =	vmul.f32 v29, v8;
	v34 =	vld [tilespmem:s3+$0xC00];
	v0 =	vadd.f32 v32, v0  }
0x105: {  	v35 =	vld [tilespmem:s3+$0x4C00]  }
0x106: {  	v36 =	vmul.f32 v31, v30;
	v37 =	vld [tilespmem:s3+$0xE00];
	v0 =	vadd.f32 v33, v0  }
0x107: {  	v38 =	vld [tilespmem:s3+$0x4E00]  }
0x108: {  	v39 =	vld [tilespmem:s3+$0x1000];
	v0 =	vadd.f32 v36, v0;
	v1 =	vmul.f32 v1, v9  }
0x109: {  	v40 =	vld [tilespmem:s3+$0x5000]  }
0x10a: {  	v42 =	vld [tilespmem:s3+$0x1200];
	v41 =	vmul.f32 v35, v34;
	v0 =	vadd.f32 v1, v0  }
0x10b: {  	v43 =	vld [tilespmem:s3+$0x5200]  }
0x10c: {  	v45 =	vld [tilespmem:s3+$0x1400];
	v44 =	vmul.f32 v38, v37;
	v0 =	vadd.f32 v41, v0  }
0x10d: {  	v46 =	vld [tilespmem:s3+$0x5400]  }
0x10e: {  	v48 =	vld [tilespmem:s3+$0x1600];
	v47 =	vmul.f32 v40, v39;
	v0 =	vadd.f32 v44, v0  }
0x10f: {  	v49 =	vld [tilespmem:s3+$0x5600]  }
0x110: {  	v51 =	vld [tilespmem:s3+$0x1800];
	v50 =	vmul.f32 v43, v42;
	v0 =	vadd.f32 v47, v0  }
0x111: {  	v52 =	vld [tilespmem:s3+$0x5800]  }
0x112: {  	v54 =	vld [tilespmem:s3+$0x1A00];
	v53 =	vmul.f32 v46, v45;
	v0 =	vadd.f32 v50, v0  }
0x113: {  	v55 =	vld [tilespmem:s3+$0x5A00]  }
0x114: {  	v57 =	vld [tilespmem:s3+$0x1C00];
	v56 =	vmul.f32 v49, v48;
	v0 =	vadd.f32 v53, v0  }
0x115: {  	v58 =	vld [tilespmem:s3+$0x5C00]  }
0x116: {  	v60 =	vld [tilespmem:s3+$0x1E00];
	v59 =	vmul.f32 v52, v51;
	v0 =	vadd.f32 v56, v0  }
0x117: {  	v61 =	vld [tilespmem:s3+$0x5E00]  }
0x118: {  	v63 =	vld [tilespmem:s3+$0x2000];
	v62 =	vmul.f32 v55, v54;
	v0 =	vadd.f32 v59, v0  }
0x119: {  	v9 =	vld [tilespmem:s3+$0x6000]  }
0x11a: {  	v11 =	vld [tilespmem:s3+$0x2200];
	v10 =	vmul.f32 v58, v57;
	v0 =	vadd.f32 v62, v0  }
0x11b: {  	v12 =	vld [tilespmem:s3+$0x6200]  }
0x11c: {  	v14 =	vld [tilespmem:s3+$0x2400];
	v13 =	vmul.f32 v61, v60;
	v0 =	vadd.f32 v10, v0  }
0x11d: {  	v15 =	vld [tilespmem:s3+$0x6400]  }
0x11e: {  	v17 =	vld [tilespmem:s3+$0x2600];
	v16 =	vmul.f32 v9, v63;
	v0 =	vadd.f32 v13, v0  }
0x11f: {  	v18 =	vld [tilespmem:s3+$0x6600]  }
0x120: {  	v20 =	vld [tilespmem:s3+$0x2800];
	v19 =	vmul.f32 v12, v11;
	v0 =	vadd.f32 v16, v0  }
0x121: {  	v21 =	vld [tilespmem:s3+$0x6800]  }
0x122: {  	v23 =	vld [tilespmem:s3+$0x2A00];
	v22 =	vmul.f32 v15, v14;
	v0 =	vadd.f32 v19, v0  }
0x123: {  	v24 =	vld [tilespmem:s3+$0x6A00]  }
0x124: {  	v26 =	vld [tilespmem:s3+$0x2C00];
	v25 =	vmul.f32 v18, v17;
	v0 =	vadd.f32 v22, v0  }
0x125: {  	v27 =	vld [tilespmem:s3+$0x6C00]  }
0x126: {  	v29 =	vld [tilespmem:s3+$0x2E00];
	v28 =	vmul.f32 v21, v20;
	v0 =	vadd.f32 v25, v0  }
0x127: {  	v30 =	vld [tilespmem:s3+$0x6E00]  }
0x128: {  	v32 =	vld [tilespmem:s3+$0x3000];
	v31 =	vmul.f32 v24, v23;
	v0 =	vadd.f32 v28, v0  }
0x129: {  	v33 =	vld [tilespmem:s3+$0x7000]  }
0x12a: {  	v34 =	vmul.f32 v27, v26;
	v35 =	vld [tilespmem:s3+$0x3200];
	v0 =	vadd.f32 v31, v0  }
0x12b: {  	v36 =	vld [tilespmem:s3+$0x7200]  }
0x12c: {  	v37 =	vmul.f32 v30, v29;
	v38 =	vld [tilespmem:s3+$0x3400];
	v0 =	vadd.f32 v34, v0  }
0x12d: {  	v39 =	vld [tilespmem:s3+$0x7400]  }
0x12e: {  	v42 =	vld [tilespmem:s3+$0x7600];
	v40 =	vmul.f32 v33, v32;
	v0 =	vadd.f32 v37, v0  }
0x12f: {  	v41 =	vld [tilespmem:s3+$0x3600]  }
0x130: {  	v45 =	vld [tilespmem:s3+$0x7800];
	v43 =	vmul.f32 v36, v35;
	v0 =	vadd.f32 v40, v0  }
0x131: {  	v44 =	vld [tilespmem:s3+$0x3800]  }
0x132: {  	v48 =	vld [tilespmem:s3+$0x7A00];
	v46 =	vmul.f32 v39, v38;
	v0 =	vadd.f32 v43, v0  }
0x133: {  	v47 =	vld [tilespmem:s3+$0x3A00]  }
0x134: {  	v51 =	vld [tilespmem:s3+$0x7C00];
	v49 =	vmul.f32 v42, v41;
	v0 =	vadd.f32 v46, v0  }
0x135: {  	v50 =	vld [tilespmem:s3+$0x3C00]  }
0x136: {  	v54 =	vld [tilespmem:s3+$0x7E00];
	v52 =	vmul.f32 v45, v44;
	v0 =	vadd.f32 v49, v0  }
0x137: {  	v53 =	vld [tilespmem:s3+$0x3E00]  }
0x138: {  	v57 =	vld [tilespmem:s3+$0x8000];
	v55 =	vmul.f32 v48, v47;
	v0 =	vadd.f32 v52, v0  }
0x139: {  	v56 =	vld [tilespmem:s3+$0x4000]  }
0x13a: {  	v60 =	vld [tilespmem:s3+$0x8200];
	v58 =	vmul.f32 v51, v50;
	v0 =	vadd.f32 v55, v0  }
0x13b: {  	v59 =	vld [tilespmem:s3+$0x4200]  }
0x13c: {  	v61 =	vmul.f32 v54, v53;
	v0 =	vadd.f32 v58, v0;
	_ =	sdelay $0x1  }
0x13d: {  	v62 =	vmul.f32 v57, v56;
	v0 =	vadd.f32 v61, v0;
	_ =	sdelay $0x1  }
0x13e: {  	v63 =	vmul.f32 v60, v59;
	v0 =	vadd.f32 v62, v0;
	_ =	sdelay $0x1  }
0x13f: {  	s30 =	sadd.s32 $0x1, s30;
	v0 =	vadd.f32 v63, v0  }
0x140: {  	p0 =	sne.s32 s30, s10  }
.Ltmp2:
0x141: {  	[tilespmem:s3+$0x8800] =	vst v0;
	(pc) =	sbr.rel @p0 .LBB2_1-.Ltmp2, $4  }
0x142: {  	[hbm4b:s9+s4] =	stream.linear.scatter [tilespmem:s29], [sflag:$0x2], $0x200, $0x38;
	[tilespmem:$0x8A00] =	vst v63  }
0x143: {  	_ =	swait.ge [sflag:s11], $0x200  }
0x144: {  	[sflag:s11] =	ssyncset.done $0x0  }
0x145: {  	[sflag:s11] =	ssyncadd.s32 $0xFFFFFE00  }
0x146: {  	_ =	sfence.sel $0x180000  }
0x147: {  	[bflag:$0x0] =	sbarrier.arrive $0xFFFF  }
0x148: {  	_ =	strace $0x90000047  }
0x149: {  	s0 =	stileid.u32;
	[bflag:$0x2] =	sbarrier.arrive $0xFFFF  }
0x14a: {  	p0 =	sne.s32 s0, $0x0;
	s0 =	rddreg [dreg:$0x5]  }
0x14b: {  	s0 =	sadd.s32 @!p0 $0x100000, s0  }
0x14c: {  	[sflag:s0] =	ssyncadd.tile.s32 @!p0 $0x1;
	_ =	shalt  }
.Lfunc_end2:
_tile_overlayer_lowered:
.L_overlay_start_2:
0x14d: {  	(tag) =	ssettag $0x2  }
0x14e: {  	s0 =	rddreg [dreg:$0x0];
	s2 =	stileid.u32  }
0x14f: {  	s1 =	rddreg [dreg:$0x1];
	p0 =	sne.s32 s2, $0x0  }
0x150: {  	s3 =	rddreg [dreg:$0x2];
	[bflag:$0x3] =	sbarrier.arrive $0xFFFF;
	s2 =	simm.s32 @!p0 $0x1C02  }
0x151: {  	[timem:s3], [sflag:s2] =	dma.local @!p0 [hbm:s0], s1  }
0x152: {  	s0 =	simm.s32 @!p0 $0x2  }
0x153: {  	_ =	swait.ge @!p0 [sflag:s0], s1  }
0x154: {  	s1 =	ssub.s32 @!p0 $0x0, s1;
	[sflag:s0] =	ssyncset.done @!p0 $0x0  }
0x155: {  	[sflag:s0] =	ssyncadd.s32 @!p0 s1  }
0x156: {  	[bflag:$0x3] =	sbarrier.arrive $0xFFFF  }
0x157: {  	_ =	shalt  }

</sc_bundles>
